<compile_context>
chip_gen: v7x
topology: tpu7x:2x2x1
jax: 0.10.2.dev20260603
libtpu: 0.0.44.dev20260713+nightly
codegen_flags: <defaults>
</compile_context>

<pallas_src>
import functools

import numpy as np
import jax
import jax.numpy as jnp
from jax import lax
from jax.experimental import pallas as pl
from jax.experimental.pallas import tpu as pltpu
from jax.experimental.pallas import tpu_sc as plsc

_D = 128
_B = 1024
_L = 128
_NC = 2
_NS = 16
_NW = _NC * _NS
_N = _B * _L
_PER_W = _N // _NW
_CH = 128
_NCH = _PER_W // _CH
_NB = 4
_NG = _NCH // _NB

_mesh = plsc.VectorSubcoreMesh(
    core_axis_name="c", subcore_axis_name="s",
    num_cores=_NC, num_subcores=_NS)


@functools.partial(
    pl.kernel,
    out_type=jax.ShapeDtypeStruct((_N, _D), jnp.float32),
    mesh=_mesh,
    scratch_types=(
        [pltpu.VMEM((_NCH, _CH), jnp.int32)]
        + [pltpu.VMEM((_CH, _D), jnp.float32) for _ in range(_NB)]
        + [pltpu.SemaphoreType.DMA for _ in range(_NB)]
    ),
)
def _emb_kernel(w_hbm, xr_hbm, out_hbm, idx_v, *sc):
    bufs = sc[:_NB]
    gsems = sc[_NB:]
    wid = lax.axis_index("s") * _NC + lax.axis_index("c")
    base = wid * _PER_W
    pltpu.sync_copy(xr_hbm.at[wid], idx_v)

    for b in range(_NB):
        pltpu.async_copy(w_hbm.at[idx_v.at[b]], bufs[b], gsems[b])

    def group(g, carry):
        a0 = g * _NB
        nxt = a0 + _NB
        more = g < _NG - 1
        for b in range(_NB):
            pltpu.make_async_copy(
                w_hbm.at[idx_v.at[a0 + b]], bufs[b], gsems[b]).wait()

            @pl.when(more)
            def _(b=b):
                pltpu.async_copy(
                    w_hbm.at[idx_v.at[nxt + b]], bufs[b], gsems[b])
        return carry

    lax.fori_loop(0, _NG, group, 0)
    pltpu.sync_copy(bufs[0], out_hbm.at[pl.ds(base, _CH)])


def kernel(x, W):
    xr = x.reshape(_NW, _NCH, _CH)
    out = _emb_kernel(W, xr)
    return out.reshape(_B, _L, _D)

# --- scband reference (transcript-rebuilt; emitter-appended) ---
"""Pipeline reference for scband-embedding-layer-14070312862443 (READ-ONLY COPY).

The authoritative reference and input builder live on the scoring server;
editing this copy changes nothing except your own understanding.
"""

import jax, jax.numpy as jnp
import numpy as np

VOCAB = 1000000
D_MODEL = 128
MAX_LEN = 1000
BATCH = 1024
SEQ = 128

def _make_pe(d_model, max_len=MAX_LEN):
    position = np.arange(max_len, dtype=np.float32)[:, None]
    div_term = np.exp(np.arange(0, d_model, 2, dtype=np.float32) * (-np.log(10000.0) / d_model))
    pe = np.zeros((max_len, d_model), dtype=np.float32)
    pe[:, 0::2] = np.sin(position * div_term)
    pe[:, 1::2] = np.cos(position * div_term)
    return jnp.asarray(pe[None])  # [1, max_len, d_model]


def setup_inputs(seed: int = 0) -> dict:
    key = jax.random.key(seed)
    k1, k2 = jax.random.split(key)
    x = jax.random.randint(k1, (BATCH, SEQ), 0, VOCAB, dtype=jnp.int32)
    W = jax.random.normal(k2, (VOCAB, D_MODEL), dtype=jnp.float32)  # nn.Embedding default init N(0,1)
    return {"x": x, "W": W}


def reference(x, W):
    # embedded = self.embedding(x)
    embedded = jnp.take(W, x, axis=0)  # [B, L, D]
    pe = _make_pe(D_MODEL)
    # NOTE: faithful to the original bug: indexes pe by embedded.size(2) (embed dim)
    return embedded + pe[:, :embedded.shape[2], :]

if __name__ == "__main__":
    import jax
    _d = setup_inputs()
    print(jax.jit(kernel)(*tuple(_d.values())))

</pallas_src>

<mosaic_0001>
#map = affine_map<(d0, d1) -> (0, 0)>
#map1 = affine_map<(d0, d1) -> (0, 0, 0)>
module attributes {stable_mosaic.version = 14 : i64} {
  func.func @_emb_kernel(%arg0: i32, %arg1: i32, %arg2: memref<1000000x128xf32, #tpu.memory_space<hbm>>, %arg3: memref<32x32x128xi32, #tpu.memory_space<hbm>>, %arg4: memref<131072x128xf32, #tpu.memory_space<hbm>>, %arg5: memref<32x128xi32, #tpu.memory_space<vmem>>, %arg6: memref<128x128xf32, #tpu.memory_space<vmem>>, %arg7: memref<128x128xf32, #tpu.memory_space<vmem>>, %arg8: memref<128x128xf32, #tpu.memory_space<vmem>>, %arg9: memref<128x128xf32, #tpu.memory_space<vmem>>, %arg10: memref<!tpu.dma_semaphore, #tpu.memory_space<semaphore_mem>>, %arg11: memref<!tpu.dma_semaphore, #tpu.memory_space<semaphore_mem>>, %arg12: memref<!tpu.dma_semaphore, #tpu.memory_space<semaphore_mem>>, %arg13: memref<!tpu.dma_semaphore, #tpu.memory_space<semaphore_mem>>) attributes {dimension_semantics = [#tpu.dimension_semantics<core_parallel>, #tpu.dimension_semantics<subcore_parallel>], iteration_bounds = array<i64: 2, 16>, scalar_prefetch = 0 : i64, scratch_operands = 9 : i64, tpu.core_type = #tpu.core_type<sc_vector_subcore>, window_params = [{transform_indices = #map}, {transform_indices = #map1}, {transform_indices = #map}]} {
    %mul3A = arith.constant 2 : i32
    %mul3A_0 = arith.muli %arg1, %mul3A : i32
    %add3A = arith.addi %mul3A_0, %arg0 : i32
    %mul3A_1 = arith.constant 4096 : i32
    %mul3A_2 = arith.muli %add3A, %mul3A_1 : i32
    "tpu.region"() ({
      %run_scoped3A = tpu.sem_alloc : memref<!tpu.dma_semaphore, #tpu.memory_space<semaphore_mem>>
      %dma_start3A_35 = arith.constant 0 : i32
      %dma_start3A_36 = arith.constant 0 : i32
      %dma_start3A_37 = tpu.memref_slice %arg3[%add3A, %dma_start3A_35, %dma_start3A_36] : memref<32x32x128xi32, #tpu.memory_space<hbm>> -> memref<1x32x128xi32, #tpu.memory_space<hbm>>
      %dma_start3A_38 = tpu.memref_squeeze %dma_start3A_37 : memref<1x32x128xi32, #tpu.memory_space<hbm>> -> memref<32x128xi32, #tpu.memory_space<hbm>>
      %dma_start3A_39 = arith.constant 0 : i32
      %dma_start3A_40 = arith.constant 0 : i32
      %dma_start3A_41 = tpu.memref_slice %arg3[%add3A, %dma_start3A_39, %dma_start3A_40] : memref<32x32x128xi32, #tpu.memory_space<hbm>> -> memref<1x32x128xi32, #tpu.memory_space<hbm>>
      %dma_start3A_42 = tpu.memref_squeeze %dma_start3A_41 : memref<1x32x128xi32, #tpu.memory_space<hbm>> -> memref<32x128xi32, #tpu.memory_space<hbm>>
      tpu.enqueue_dma source(%dma_start3A_42 : memref<32x128xi32, #tpu.memory_space<hbm>>) target(%arg5 : memref<32x128xi32, #tpu.memory_space<vmem>>) target_semaphore(%run_scoped3A : memref<!tpu.dma_semaphore, #tpu.memory_space<semaphore_mem>>)
      %dma_wait3A = arith.constant 0 : i32
      %dma_wait3A_43 = arith.constant 0 : i32
      %dma_wait3A_44 = tpu.memref_slice %arg3[%add3A, %dma_wait3A, %dma_wait3A_43] : memref<32x32x128xi32, #tpu.memory_space<hbm>> -> memref<1x32x128xi32, #tpu.memory_space<hbm>>
      %dma_wait3A_45 = tpu.memref_squeeze %dma_wait3A_44 : memref<1x32x128xi32, #tpu.memory_space<hbm>> -> memref<32x128xi32, #tpu.memory_space<hbm>>
      %dma_wait3A_46 = arith.constant 0 : i32
      %dma_wait3A_47 = arith.constant 0 : i32
      %dma_wait3A_48 = tpu.memref_slice %arg3[%add3A, %dma_wait3A_46, %dma_wait3A_47] : memref<32x32x128xi32, #tpu.memory_space<hbm>> -> memref<1x32x128xi32, #tpu.memory_space<hbm>>
      %dma_wait3A_49 = tpu.memref_squeeze %dma_wait3A_48 : memref<1x32x128xi32, #tpu.memory_space<hbm>> -> memref<32x128xi32, #tpu.memory_space<hbm>>
      tpu.wait_dma2 semaphore(%run_scoped3A : memref<!tpu.dma_semaphore, #tpu.memory_space<semaphore_mem>>) src(%dma_wait3A_49 : memref<32x128xi32, #tpu.memory_space<hbm>>) dst(%arg5 : memref<32x128xi32, #tpu.memory_space<vmem>>)
      tpu.yield
    }) : () -> ()
    %dma_start3A = arith.constant 0 : i32
    %dma_start3A_3 = arith.constant 0 : i32
    %dma_start3A_4 = tpu.memref_slice %arg5[%dma_start3A, %dma_start3A_3] : memref<32x128xi32, #tpu.memory_space<vmem>> -> memref<1x128xi32, #tpu.memory_space<vmem>>
    %dma_start3A_5 = tpu.memref_squeeze %dma_start3A_4 : memref<1x128xi32, #tpu.memory_space<vmem>> -> memref<128xi32, #tpu.memory_space<vmem>>
    %dma_start3A_6 = arith.constant 0 : i32
    %dma_start3A_7 = arith.constant 0 : i32
    %dma_start3A_8 = tpu.memref_slice %arg2[%dma_start3A_6, %dma_start3A_7] : memref<1000000x128xf32, #tpu.memory_space<hbm>> -> memref<1000000x128xf32, #tpu.memory_space<hbm>>
    tpu.enqueue_indirect_dma source(%dma_start3A_8 : memref<1000000x128xf32, #tpu.memory_space<hbm>>) target(%arg6 : memref<128x128xf32, #tpu.memory_space<vmem>>) offsets(%dma_start3A_5 : memref<128xi32, #tpu.memory_space<vmem>>) semaphore(%arg10 : memref<!tpu.dma_semaphore, #tpu.memory_space<semaphore_mem>>)
    %dma_start3A_9 = arith.constant 1 : i32
    %dma_start3A_10 = arith.constant 0 : i32
    %dma_start3A_11 = tpu.memref_slice %arg5[%dma_start3A_9, %dma_start3A_10] : memref<32x128xi32, #tpu.memory_space<vmem>> -> memref<1x128xi32, #tpu.memory_space<vmem>>
    %dma_start3A_12 = tpu.memref_squeeze %dma_start3A_11 : memref<1x128xi32, #tpu.memory_space<vmem>> -> memref<128xi32, #tpu.memory_space<vmem>>
    %dma_start3A_13 = arith.constant 0 : i32
    %dma_start3A_14 = arith.constant 0 : i32
    %dma_start3A_15 = tpu.memref_slice %arg2[%dma_start3A_13, %dma_start3A_14] : memref<1000000x128xf32, #tpu.memory_space<hbm>> -> memref<1000000x128xf32, #tpu.memory_space<hbm>>
    tpu.enqueue_indirect_dma source(%dma_start3A_15 : memref<1000000x128xf32, #tpu.memory_space<hbm>>) target(%arg7 : memref<128x128xf32, #tpu.memory_space<vmem>>) offsets(%dma_start3A_12 : memref<128xi32, #tpu.memory_space<vmem>>) semaphore(%arg11 : memref<!tpu.dma_semaphore, #tpu.memory_space<semaphore_mem>>)
    %dma_start3A_16 = arith.constant 2 : i32
    %dma_start3A_17 = arith.constant 0 : i32
    %dma_start3A_18 = tpu.memref_slice %arg5[%dma_start3A_16, %dma_start3A_17] : memref<32x128xi32, #tpu.memory_space<vmem>> -> memref<1x128xi32, #tpu.memory_space<vmem>>
    %dma_start3A_19 = tpu.memref_squeeze %dma_start3A_18 : memref<1x128xi32, #tpu.memory_space<vmem>> -> memref<128xi32, #tpu.memory_space<vmem>>
    %dma_start3A_20 = arith.constant 0 : i32
    %dma_start3A_21 = arith.constant 0 : i32
    %dma_start3A_22 = tpu.memref_slice %arg2[%dma_start3A_20, %dma_start3A_21] : memref<1000000x128xf32, #tpu.memory_space<hbm>> -> memref<1000000x128xf32, #tpu.memory_space<hbm>>
    tpu.enqueue_indirect_dma source(%dma_start3A_22 : memref<1000000x128xf32, #tpu.memory_space<hbm>>) target(%arg8 : memref<128x128xf32, #tpu.memory_space<vmem>>) offsets(%dma_start3A_19 : memref<128xi32, #tpu.memory_space<vmem>>) semaphore(%arg12 : memref<!tpu.dma_semaphore, #tpu.memory_space<semaphore_mem>>)
    %dma_start3A_23 = arith.constant 3 : i32
    %dma_start3A_24 = arith.constant 0 : i32
    %dma_start3A_25 = tpu.memref_slice %arg5[%dma_start3A_23, %dma_start3A_24] : memref<32x128xi32, #tpu.memory_space<vmem>> -> memref<1x128xi32, #tpu.memory_space<vmem>>
    %dma_start3A_26 = tpu.memref_squeeze %dma_start3A_25 : memref<1x128xi32, #tpu.memory_space<vmem>> -> memref<128xi32, #tpu.memory_space<vmem>>
    %dma_start3A_27 = arith.constant 0 : i32
    %dma_start3A_28 = arith.constant 0 : i32
    %dma_start3A_29 = tpu.memref_slice %arg2[%dma_start3A_27, %dma_start3A_28] : memref<1000000x128xf32, #tpu.memory_space<hbm>> -> memref<1000000x128xf32, #tpu.memory_space<hbm>>
    tpu.enqueue_indirect_dma source(%dma_start3A_29 : memref<1000000x128xf32, #tpu.memory_space<hbm>>) target(%arg9 : memref<128x128xf32, #tpu.memory_space<vmem>>) offsets(%dma_start3A_26 : memref<128xi32, #tpu.memory_space<vmem>>) semaphore(%arg13 : memref<!tpu.dma_semaphore, #tpu.memory_space<semaphore_mem>>)
    %scan3A = arith.constant 0 : i32
    %scan3A_30 = arith.constant 0 : i32
    %scan3A_31 = arith.constant 8 : i32
    %scan3A_32 = arith.addi %scan3A_30, %scan3A_31 : i32
    %scan3A_33 = arith.constant 1 : i32
    scf.for %scan3A_35 = %scan3A_30 to %scan3A_32 step %scan3A_33  : i32 {
      %mul3A_36 = arith.constant 4 : i32
      %mul3A_37 = arith.muli %scan3A_35, %mul3A_36 : i32
      %add3A_38 = arith.constant 4 : i32
      %add3A_39 = arith.addi %mul3A_37, %add3A_38 : i32
      %lt3A = arith.constant 7 : i32
      %lt3A_40 = arith.cmpi slt, %scan3A_35, %lt3A : i32
      %add3A_41 = arith.constant 0 : i32
      %add3A_42 = arith.addi %mul3A_37, %add3A_41 : i32
      %dma_wait3A = arith.constant 0 : i32
      %dma_wait3A_43 = tpu.memref_slice %arg5[%add3A_42, %dma_wait3A] : memref<32x128xi32, #tpu.memory_space<vmem>> -> memref<1x128xi32, #tpu.memory_space<vmem>>
      %dma_wait3A_44 = tpu.memref_squeeze %dma_wait3A_43 : memref<1x128xi32, #tpu.memory_space<vmem>> -> memref<128xi32, #tpu.memory_space<vmem>>
      %dma_wait3A_45 = arith.constant 0 : i32
      %dma_wait3A_46 = arith.constant 0 : i32
      %dma_wait3A_47 = tpu.memref_slice %arg2[%dma_wait3A_45, %dma_wait3A_46] : memref<1000000x128xf32, #tpu.memory_space<hbm>> -> memref<1000000x128xf32, #tpu.memory_space<hbm>>
      tpu.wait_indirect_dma semaphore(%arg10 : memref<!tpu.dma_semaphore, #tpu.memory_space<semaphore_mem>>) src(%dma_wait3A_47 : memref<1000000x128xf32, #tpu.memory_space<hbm>>) dst(%arg6 : memref<128x128xf32, #tpu.memory_space<vmem>>)
      %convert_element_type3A = arith.extui %lt3A_40 : i1 to i32
      %cond3A = arith.constant 0 : i32
      %cond3A_48 = arith.cmpi ne, %convert_element_type3A, %cond3A : i32
      scf.if %cond3A_48 {
        %add3A_82 = arith.constant 0 : i32
        %add3A_83 = arith.addi %add3A_39, %add3A_82 : i32
        %dma_start3A_84 = arith.constant 0 : i32
        %dma_start3A_85 = tpu.memref_slice %arg5[%add3A_83, %dma_start3A_84] : memref<32x128xi32, #tpu.memory_space<vmem>> -> memref<1x128xi32, #tpu.memory_space<vmem>>
        %dma_start3A_86 = tpu.memref_squeeze %dma_start3A_85 : memref<1x128xi32, #tpu.memory_space<vmem>> -> memref<128xi32, #tpu.memory_space<vmem>>
        %dma_start3A_87 = arith.constant 0 : i32
        %dma_start3A_88 = arith.constant 0 : i32
        %dma_start3A_89 = tpu.memref_slice %arg2[%dma_start3A_87, %dma_start3A_88] : memref<1000000x128xf32, #tpu.memory_space<hbm>> -> memref<1000000x128xf32, #tpu.memory_space<hbm>>
        tpu.enqueue_indirect_dma source(%dma_start3A_89 : memref<1000000x128xf32, #tpu.memory_space<hbm>>) target(%arg6 : memref<128x128xf32, #tpu.memory_space<vmem>>) offsets(%dma_start3A_86 : memref<128xi32, #tpu.memory_space<vmem>>) semaphore(%arg10 : memref<!tpu.dma_semaphore, #tpu.memory_space<semaphore_mem>>)
      } else {
      }
      %add3A_49 = arith.constant 1 : i32
      %add3A_50 = arith.addi %mul3A_37, %add3A_49 : i32
      %dma_wait3A_51 = arith.constant 0 : i32
      %dma_wait3A_52 = tpu.memref_slice %arg5[%add3A_50, %dma_wait3A_51] : memref<32x128xi32, #tpu.memory_space<vmem>> -> memref<1x128xi32, #tpu.memory_space<vmem>>
      %dma_wait3A_53 = tpu.memref_squeeze %dma_wait3A_52 : memref<1x128xi32, #tpu.memory_space<vmem>> -> memref<128xi32, #tpu.memory_space<vmem>>
      %dma_wait3A_54 = arith.constant 0 : i32
      %dma_wait3A_55 = arith.constant 0 : i32
      %dma_wait3A_56 = tpu.memref_slice %arg2[%dma_wait3A_54, %dma_wait3A_55] : memref<1000000x128xf32, #tpu.memory_space<hbm>> -> memref<1000000x128xf32, #tpu.memory_space<hbm>>
      tpu.wait_indirect_dma semaphore(%arg11 : memref<!tpu.dma_semaphore, #tpu.memory_space<semaphore_mem>>) src(%dma_wait3A_56 : memref<1000000x128xf32, #tpu.memory_space<hbm>>) dst(%arg7 : memref<128x128xf32, #tpu.memory_space<vmem>>)
      %convert_element_type3A_57 = arith.extui %lt3A_40 : i1 to i32
      %cond3A_58 = arith.constant 0 : i32
      %cond3A_59 = arith.cmpi ne, %convert_element_type3A_57, %cond3A_58 : i32
      scf.if %cond3A_59 {
        %add3A_82 = arith.constant 1 : i32
        %add3A_83 = arith.addi %add3A_39, %add3A_82 : i32
        %dma_start3A_84 = arith.constant 0 : i32
        %dma_start3A_85 = tpu.memref_slice %arg5[%add3A_83, %dma_start3A_84] : memref<32x128xi32, #tpu.memory_space<vmem>> -> memref<1x128xi32, #tpu.memory_space<vmem>>
        %dma_start3A_86 = tpu.memref_squeeze %dma_start3A_85 : memref<1x128xi32, #tpu.memory_space<vmem>> -> memref<128xi32, #tpu.memory_space<vmem>>
        %dma_start3A_87 = arith.constant 0 : i32
        %dma_start3A_88 = arith.constant 0 : i32
        %dma_start3A_89 = tpu.memref_slice %arg2[%dma_start3A_87, %dma_start3A_88] : memref<1000000x128xf32, #tpu.memory_space<hbm>> -> memref<1000000x128xf32, #tpu.memory_space<hbm>>
        tpu.enqueue_indirect_dma source(%dma_start3A_89 : memref<1000000x128xf32, #tpu.memory_space<hbm>>) target(%arg7 : memref<128x128xf32, #tpu.memory_space<vmem>>) offsets(%dma_start3A_86 : memref<128xi32, #tpu.memory_space<vmem>>) semaphore(%arg11 : memref<!tpu.dma_semaphore, #tpu.memory_space<semaphore_mem>>)
      } else {
      }
      %add3A_60 = arith.constant 2 : i32
      %add3A_61 = arith.addi %mul3A_37, %add3A_60 : i32
      %dma_wait3A_62 = arith.constant 0 : i32
      %dma_wait3A_63 = tpu.memref_slice %arg5[%add3A_61, %dma_wait3A_62] : memref<32x128xi32, #tpu.memory_space<vmem>> -> memref<1x128xi32, #tpu.memory_space<vmem>>
      %dma_wait3A_64 = tpu.memref_squeeze %dma_wait3A_63 : memref<1x128xi32, #tpu.memory_space<vmem>> -> memref<128xi32, #tpu.memory_space<vmem>>
      %dma_wait3A_65 = arith.constant 0 : i32
      %dma_wait3A_66 = arith.constant 0 : i32
      %dma_wait3A_67 = tpu.memref_slice %arg2[%dma_wait3A_65, %dma_wait3A_66] : memref<1000000x128xf32, #tpu.memory_space<hbm>> -> memref<1000000x128xf32, #tpu.memory_space<hbm>>
      tpu.wait_indirect_dma semaphore(%arg12 : memref<!tpu.dma_semaphore, #tpu.memory_space<semaphore_mem>>) src(%dma_wait3A_67 : memref<1000000x128xf32, #tpu.memory_space<hbm>>) dst(%arg8 : memref<128x128xf32, #tpu.memory_space<vmem>>)
      %convert_element_type3A_68 = arith.extui %lt3A_40 : i1 to i32
      %cond3A_69 = arith.constant 0 : i32
      %cond3A_70 = arith.cmpi ne, %convert_element_type3A_68, %cond3A_69 : i32
      scf.if %cond3A_70 {
        %add3A_82 = arith.constant 2 : i32
        %add3A_83 = arith.addi %add3A_39, %add3A_82 : i32
        %dma_start3A_84 = arith.constant 0 : i32
        %dma_start3A_85 = tpu.memref_slice %arg5[%add3A_83, %dma_start3A_84] : memref<32x128xi32, #tpu.memory_space<vmem>> -> memref<1x128xi32, #tpu.memory_space<vmem>>
        %dma_start3A_86 = tpu.memref_squeeze %dma_start3A_85 : memref<1x128xi32, #tpu.memory_space<vmem>> -> memref<128xi32, #tpu.memory_space<vmem>>
        %dma_start3A_87 = arith.constant 0 : i32
        %dma_start3A_88 = arith.constant 0 : i32
        %dma_start3A_89 = tpu.memref_slice %arg2[%dma_start3A_87, %dma_start3A_88] : memref<1000000x128xf32, #tpu.memory_space<hbm>> -> memref<1000000x128xf32, #tpu.memory_space<hbm>>
        tpu.enqueue_indirect_dma source(%dma_start3A_89 : memref<1000000x128xf32, #tpu.memory_space<hbm>>) target(%arg8 : memref<128x128xf32, #tpu.memory_space<vmem>>) offsets(%dma_start3A_86 : memref<128xi32, #tpu.memory_space<vmem>>) semaphore(%arg12 : memref<!tpu.dma_semaphore, #tpu.memory_space<semaphore_mem>>)
      } else {
      }
      %add3A_71 = arith.constant 3 : i32
      %add3A_72 = arith.addi %mul3A_37, %add3A_71 : i32
      %dma_wait3A_73 = arith.constant 0 : i32
      %dma_wait3A_74 = tpu.memref_slice %arg5[%add3A_72, %dma_wait3A_73] : memref<32x128xi32, #tpu.memory_space<vmem>> -> memref<1x128xi32, #tpu.memory_space<vmem>>
      %dma_wait3A_75 = tpu.memref_squeeze %dma_wait3A_74 : memref<1x128xi32, #tpu.memory_space<vmem>> -> memref<128xi32, #tpu.memory_space<vmem>>
      %dma_wait3A_76 = arith.constant 0 : i32
      %dma_wait3A_77 = arith.constant 0 : i32
      %dma_wait3A_78 = tpu.memref_slice %arg2[%dma_wait3A_76, %dma_wait3A_77] : memref<1000000x128xf32, #tpu.memory_space<hbm>> -> memref<1000000x128xf32, #tpu.memory_space<hbm>>
      tpu.wait_indirect_dma semaphore(%arg13 : memref<!tpu.dma_semaphore, #tpu.memory_space<semaphore_mem>>) src(%dma_wait3A_78 : memref<1000000x128xf32, #tpu.memory_space<hbm>>) dst(%arg9 : memref<128x128xf32, #tpu.memory_space<vmem>>)
      %convert_element_type3A_79 = arith.extui %lt3A_40 : i1 to i32
      %cond3A_80 = arith.constant 0 : i32
      %cond3A_81 = arith.cmpi ne, %convert_element_type3A_79, %cond3A_80 : i32
      scf.if %cond3A_81 {
        %add3A_82 = arith.constant 3 : i32
        %add3A_83 = arith.addi %add3A_39, %add3A_82 : i32
        %dma_start3A_84 = arith.constant 0 : i32
        %dma_start3A_85 = tpu.memref_slice %arg5[%add3A_83, %dma_start3A_84] : memref<32x128xi32, #tpu.memory_space<vmem>> -> memref<1x128xi32, #tpu.memory_space<vmem>>
        %dma_start3A_86 = tpu.memref_squeeze %dma_start3A_85 : memref<1x128xi32, #tpu.memory_space<vmem>> -> memref<128xi32, #tpu.memory_space<vmem>>
        %dma_start3A_87 = arith.constant 0 : i32
        %dma_start3A_88 = arith.constant 0 : i32
        %dma_start3A_89 = tpu.memref_slice %arg2[%dma_start3A_87, %dma_start3A_88] : memref<1000000x128xf32, #tpu.memory_space<hbm>> -> memref<1000000x128xf32, #tpu.memory_space<hbm>>
        tpu.enqueue_indirect_dma source(%dma_start3A_89 : memref<1000000x128xf32, #tpu.memory_space<hbm>>) target(%arg9 : memref<128x128xf32, #tpu.memory_space<vmem>>) offsets(%dma_start3A_86 : memref<128xi32, #tpu.memory_space<vmem>>) semaphore(%arg13 : memref<!tpu.dma_semaphore, #tpu.memory_space<semaphore_mem>>)
      } else {
      }
    }
    %scan3A_34 = arith.constant 8 : i32
    "tpu.region"() ({
      %run_scoped3A = tpu.sem_alloc : memref<!tpu.dma_semaphore, #tpu.memory_space<semaphore_mem>>
      %dma_start3A_35 = arith.constant 0 : i32
      %dma_start3A_36 = tpu.memref_slice %arg4[%mul3A_2, %dma_start3A_35] : memref<131072x128xf32, #tpu.memory_space<hbm>> -> memref<128x128xf32, #tpu.memory_space<hbm>>
      %dma_start3A_37 = arith.constant 0 : i32
      %dma_start3A_38 = tpu.memref_slice %arg4[%mul3A_2, %dma_start3A_37] : memref<131072x128xf32, #tpu.memory_space<hbm>> -> memref<128x128xf32, #tpu.memory_space<hbm>>
      tpu.enqueue_dma source(%arg6 : memref<128x128xf32, #tpu.memory_space<vmem>>) target(%dma_start3A_38 : memref<128x128xf32, #tpu.memory_space<hbm>>) target_semaphore(%run_scoped3A : memref<!tpu.dma_semaphore, #tpu.memory_space<semaphore_mem>>)
      %dma_wait3A = arith.constant 0 : i32
      %dma_wait3A_39 = tpu.memref_slice %arg4[%mul3A_2, %dma_wait3A] : memref<131072x128xf32, #tpu.memory_space<hbm>> -> memref<128x128xf32, #tpu.memory_space<hbm>>
      %dma_wait3A_40 = arith.constant 0 : i32
      %dma_wait3A_41 = tpu.memref_slice %arg4[%mul3A_2, %dma_wait3A_40] : memref<131072x128xf32, #tpu.memory_space<hbm>> -> memref<128x128xf32, #tpu.memory_space<hbm>>
      tpu.wait_dma2 semaphore(%run_scoped3A : memref<!tpu.dma_semaphore, #tpu.memory_space<semaphore_mem>>) src(%arg6 : memref<128x128xf32, #tpu.memory_space<vmem>>) dst(%dma_wait3A_41 : memref<128x128xf32, #tpu.memory_space<hbm>>)
      tpu.yield
    }) : () -> ()
    return
  }
}

</mosaic_0001>

<sc_bundles>
// kernel: kernel.3.cloned.1.call-start
scs
__scs_entry_jumppad:
0x0: {  	(pc) =	sbr.rel $0x88, $3  }
0x1: {  	(tag) =	ssettag $0x0;
	lr =	simm.s32 $0x1  }
0x2: {  	[smem:$0x3F9F] =	sst lr;
	_ =	strace $0xD0000000  }
0x3: {  	_ = 	snop  }
0x4: {  	_ = 	snop  }
0x5: {  	_ = 	snop  }
0x6: {  	_ = 	snop  }
0x7: {  	_ = 	snop  }
__scs_overlays_trampoline_lowered:
0x8: {  	[smem:$0x3FAE] =	sst s0  }
0x9: {  	[smem:$0x3FAF] =	sst s1  }
0xa: {  	[smem:$0x3FB0] =	sst s2  }
0xb: {  	[smem:$0x3FB1] =	sst s3  }
0xc: {  	[smem:$0x3FB2] =	sst s4  }
0xd: {  	[smem:$0x3FB3] =	sst s5  }
0xe: {  	[smem:$0x3FB4] =	sst s6  }
0xf: {  	[smem:$0x3FB5] =	sst s7  }
0x10: {  	[smem:$0x3FB6] =	sst s8  }
0x11: {  	[smem:$0x3FB7] =	sst s9;
	s0 =	simm.s32 @!p0 $0x0  }
0x12: {  	s1 =	sld [smem:$0x3F9D];
	s0 =	simm.s32 @p0 $0x1  }
0x13: {  	[smem:$0x3FB8] =	sst s0;
	s0 =	simm.s32 @!p1 $0x0  }
0x14: {  	s2 =	sld [smem:$0x3F9C];
	s0 =	simm.s32 @p1 $0x1  }
0x15: {  	[smem:$0x3FB9] =	sst s0;
	s0 =	simm.s32 @!p2 $0x0  }
0x16: {  	s3 =	sld [smem:$0x3FDB];
	s0 =	simm.s32 @p2 $0x1  }
0x17: {  	s4 =	simm.s32 $0x1BF5;
	[smem:$0x3FBB] =	sst s0  }
0x18: {  	s0 =	sld [smem:$0x3F9E];
	_ =	swait.ge [sflag:s4], $0x0  }
0x19: {  	s7 =	sld [smem:$0x3F9F]  }
0x1a: {  	s8 =	sadd.s32 $0xFFFFE003, lr  }
0x1b: {  	s9 =	sadd.s32 $0xFFFFFEF7, lr;
	s5 =	simm.s32 $0xFFFFFFFF;
	p2 =	slt.u32 s8, $0xFFFFF086  }
0x1c: {  	p1 =	slt.u32 s9, $0xF7A;
	s5 =	simm.s32 @!p2 $0x0  }
0x1d: {  	s5 =	simm.s32 @p1 $0x1;
	p0 =	seq.s32 s7, s2  }
0x1e: {  	s7 =	smul.u32 @!p0 $0xF7A, s2;
	p2 =	seq.s32 @!p0 s5, $0x0  }
0x1f: {  	s9 =	smul.u32 $0xF7A, s1;
	s8 =	simm.s32 @!p0 $0x1BF5;
	p2 =	por !p2, p0  }
0x20: {  	[sflag:s8] =	ssyncset.s32 @!p0 $0xFFFFF086;
	s6 =	sadd.s32 @!p0 s3, s7;
	s7 =	simm.s32 @!p0 $0x108  }
0x21: {  	s3 =	sadd.s32 s3, s9;
	s6 =	sadd.s32 @!p0 $0x88, s6;
	s7 =	simm.s32 @p2 $0x1082  }
0x22: {  	[simem:s7], [sflag:s8] =	dma.local @!p0 [hbm:s6], $0xF7A  }
0x23: {  	s9 =	sor.u32 $0xD0000000, s2;
	s6 =	simm.s32 $0x108;
	_ =	swait.ge @!p0 [sflag:s8], $0x0  }
0x24: {  	s3 =	sadd.s32 $0x88, s3;
	s6 =	simm.s32 @!p1 $0x1082;
	[sflag:s4] =	ssyncset.s32 $0xFFFFF086  }
0x25: {  	[simem:s6], [sflag:s4] =	dma.local [hbm:s3], $0xF7A  }
0x26: {  	[smem:$0x3F9F] =	sst s1;
	(tag) =	ssettag s2;
	_ =	strace s9  }
0x27: {  	s1 =	sld [smem:$0x3FAF]  }
0x28: {  	s2 =	sld [smem:$0x3FB0]  }
0x29: {  	s4 =	sld [smem:$0x3FB2]  }
0x2a: {  	p0 =	seq.s32 s5, $0x0;
	s5 =	sld [smem:$0x3FB3]  }
0x2b: {  	s6 =	sld [smem:$0x3FB4]  }
0x2c: {  	s7 =	sld [smem:$0x3FB5]  }
0x2d: {  	s3 =	simm.s32 $0x108;
	s8 =	sld [smem:$0x3FB6]  }
0x2e: {  	s3 =	simm.s32 @!p0 $0x1082;
	s9 =	sld [smem:$0x3FB7]  }
0x2f: {  	lr =	sadd.s32 s0, s3;
	s0 =	sld [smem:$0x3FAE]  }
0x30: {  	s3 =	sld [smem:$0x3FB1]  }
0x31: {  	[smem:$0x3FBA] =	sst s10  }
0x32: {  	s10 =	sld [smem:$0x3FB8];
	_ =	sdelay $0x3  }
0x33: {  	p0 =	seq.s32 s10, $0x1;
	s10 =	sld [smem:$0x3FBA];
	_ =	sdelay $0x3  }
0x34: {  	[smem:$0x3FBA] =	sst s10  }
0x35: {  	s10 =	sld [smem:$0x3FB9];
	_ =	sdelay $0x3  }
0x36: {  	p1 =	seq.s32 s10, $0x1;
	s10 =	sld [smem:$0x3FBA];
	_ =	sdelay $0x3  }
0x37: {  	[smem:$0x3FBA] =	sst s10  }
0x38: {  	s10 =	sld [smem:$0x3FBB]  }
0x39: {  	_ = 	snop;
	(pc) =	sbr.ind lr, $3  }
0x3a: {  	_ = 	snop  }
0x3b: {  	_ = 	snop  }
0x3c: {  	p2 =	seq.s32 s10, $0x1;
	s10 =	sld [smem:$0x3FBA]  }
0x3d: {  	_ =	shalt  }
0x3e: {  	_ =	shalt  }
0x3f: {  	_ =	shalt  }
0x40: {  	_ =	shalt  }
0x41: {  	_ =	shalt  }
0x42: {  	_ =	shalt  }
0x43: {  	_ =	shalt  }
0x44: {  	_ =	shalt  }
0x45: {  	_ =	shalt  }
0x46: {  	_ =	shalt  }
0x47: {  	_ =	shalt  }
0x48: {  	_ =	shalt  }
0x49: {  	_ =	shalt  }
0x4a: {  	_ =	shalt  }
0x4b: {  	_ =	shalt  }
0x4c: {  	_ =	shalt  }
0x4d: {  	_ =	shalt  }
0x4e: {  	_ =	shalt  }
0x4f: {  	_ =	shalt  }
0x50: {  	_ =	shalt  }
0x51: {  	_ =	shalt  }
0x52: {  	_ =	shalt  }
0x53: {  	_ =	shalt  }
0x54: {  	_ =	shalt  }
0x55: {  	_ =	shalt  }
0x56: {  	_ =	shalt  }
0x57: {  	_ =	shalt  }
0x58: {  	_ =	shalt  }
0x59: {  	_ =	shalt  }
0x5a: {  	_ =	shalt  }
0x5b: {  	_ =	shalt  }
0x5c: {  	_ =	shalt  }
0x5d: {  	_ =	shalt  }
0x5e: {  	_ =	shalt  }
0x5f: {  	_ =	shalt  }
0x60: {  	_ =	shalt  }
0x61: {  	_ =	shalt  }
0x62: {  	_ =	shalt  }
0x63: {  	_ =	shalt  }
0x64: {  	_ =	shalt  }
0x65: {  	_ =	shalt  }
0x66: {  	_ =	shalt  }
0x67: {  	_ =	shalt  }
0x68: {  	_ =	shalt  }
0x69: {  	_ =	shalt  }
0x6a: {  	_ =	shalt  }
0x6b: {  	_ =	shalt  }
0x6c: {  	_ =	shalt  }
0x6d: {  	_ =	shalt  }
0x6e: {  	_ =	shalt  }
0x6f: {  	_ =	shalt  }
0x70: {  	_ =	shalt  }
0x71: {  	_ =	shalt  }
0x72: {  	_ =	shalt  }
0x73: {  	_ =	shalt  }
0x74: {  	_ =	shalt  }
0x75: {  	_ =	shalt  }
0x76: {  	_ =	shalt  }
0x77: {  	_ =	shalt  }
0x78: {  	_ =	shalt  }
0x79: {  	_ =	shalt  }
0x7a: {  	_ =	shalt  }
0x7b: {  	_ =	shalt  }
0x7c: {  	_ =	shalt  }
0x7d: {  	_ =	shalt  }
0x7e: {  	_ =	shalt  }
0x7f: {  	_ =	shalt  }
0x80: {  	_ =	shalt  }
0x81: {  	_ =	shalt  }
0x82: {  	_ =	shalt  }
0x83: {  	_ =	shalt  }
0x84: {  	_ =	shalt  }
0x85: {  	_ =	shalt  }
0x86: {  	_ =	shalt  }
0x87: {  	_ =	shalt  }
.Lfunc_end0:
.L_simem_size_0:
called_computation_lowered:
.L_overlay_start_0:
0x88: {  	s2 =	sld [smem:$0x3FD9]  }
0x89: {  	s3 =	sld [smem:$0x3FFE];
	_ =	sdelay $0x1  }
0x8a: {  	s1 =	srdreg.scid  }
0x8b: {  	s0 =	sand.u32 $0x1, s1  }
0x8c: {  	s18 =	sshll.u32 s0, $0xA;
	s2 =	sadd.s32 s3, s2  }
0x8d: {  	s2 =	sadd.s32 s2, s18  }
0x8e: {  	[smem:$0x3FC6] =	sst s2  }
0x8f: {  	_ = 	snop  }
0x90: {  	s2 =	sld [smem:$0x3FC9]  }
0x91: {  	s19 =	sld [smem:$0x3FC8]  }
0x92: {  	s4 =	sld [smem:$0x3FD0];
	(tm) =	ssettm $0x1  }
0x93: {  	s5 =	sld [smem:$0x3FFB];
	_ =	sdelay $0x3  }
0x94: {  	_ =	strace s5  }
0x95: {  	s5 =	sld [smem:$0x3FFC];
	_ =	sdelay $0x3  }
0x96: {  	_ =	strace s5  }
0x97: {  	s5 =	sld [smem:$0x3FFD];
	_ =	sdelay $0x3  }
0x98: {  	_ =	strace s5  }
0x99: {  	_ =	strace $0x8FFFFFFF  }
0x9a: {  	s20 =	sld [smem:$0x3FDB];
	_ =	sdelay $0x1  }
0x9b: {  	s6 =	simm.s32 $_scs_section_size  }
0x9c: {  	s7 =	simm.s32 $_size__tile_overlayer_lowered;
	s8 =	simm.s32 $_tile_overlayer_lowered  }
0x9d: {  	s23 =	simm.s32 $0x1BFF;
	s22 =	sshll.u32 s8, $0x1;
	s5 =	sadd.s32 s6, s20  }
0x9e: {  	s9 =	simm.s32 $0x0;
	s21 =	sshll.u32 s7, $0x1;
	s7 =	sadd.s32 s22, s5  }
0x9f: {  	[timem:s9], [sflag:s23] =	dma.local [hbm:s7], s21  }
0xa0: {  	_ =	swait.ge [sflag:s23], s21  }
0xa1: {  	s6 =	ssub.s32 $0x0, s21;
	[sflag:s23] =	ssyncset.done $0x0  }
0xa2: {  	[sflag:s23] =	ssyncadd.s32 s6;
	_ =	sdelay $0x1  }
0xa3: {  	s24 =	simm.s32 $0x1B8B  }
0xa4: {  	_ =	swait.ge [sflag:s24], $0x1  }
0xa5: {  	[sflag:s24] =	ssyncset.done $0x0  }
0xa6: {  	s25 =	simm.s32 $0x1B8E;
	[sflag:s24] =	ssyncadd.s32 $0xFFFFFFFF  }
0xa7: {  	s26 =	simm.s32 $execute0_lowered;
	[smem:$0x3FD2] =	sst s25  }
0xa8: {  	s6 =	sshll.u32 s26, $0x1;
	_ =	strace $0x80000046;
	[dreg:$0x1] =	wrdreg $0xFFFFFFFF  }
0xa9: {  	s28 =	simm.s32 $_size_execute0_lowered;
	s5 =	sadd.s32 s5, s6;
	[dreg:$0x0] =	wrdreg $0x0  }
0xaa: {  	s6 =	sshll.u32 s28, $0x1;
	[dreg:$0x2] =	wrdreg s5  }
0xab: {  	[dreg:$0x3] =	wrdreg s6  }
0xac: {  	[dreg:$0x4] =	wrdreg $0xC0  }
0xad: {  	_ =	task [dreg:s9], $0x5FFFF  }
0xae: {  	[dreg:$0x1] =	wrdreg $0xFFFFFFFF  }
0xaf: {  	[dreg:$0x0] =	wrdreg $0x60  }
0xb0: {  	[dreg:$0x2] =	wrdreg s19  }
0xb1: {  	[dreg:$0x3] =	wrdreg s2  }
0xb2: {  	[dreg:$0x4] =	wrdreg s4  }
0xb3: {  	[dreg:$0x5] =	wrdreg $0x9  }
0xb4: {  	_ =	task.clear_ibuf [dreg:s9], $0x6FFFF;
	_ =	strace $0x90000046  }
0xb5: {  	s29 =	simm.s32 $0x9;
	_ =	strace $0x80000048  }
0xb6: {  	_ =	swait.ge [sflag:s29], $0x1  }
0xb7: {  	[sflag:s29] =	ssyncadd.s32 $0xFFFFFFFF  }
0xb8: {  	_ =	strace $0x90000048  }
0xb9: {  	_ =	sfence  }
0xba: {  	s30 =	sld [smem:$0x0];
	_ =	sdelay $0x2  }
0xbb: {  	s31 =	sshll.u32 s1, $0xD;
	s1 =	sshrl.u32 s1, $0x2  }
0xbc: {  	s3 =	sand.u32 $0x4000, s31;
	s1 =	sadd.s32 s1, s30  }
0xbd: {  	s0 =	sor.u32 s3, s0;
	s1 =	sshll.u32 s1, $0x11  }
0xbe: {  	s0 =	sor.u32 s1, s0  }
0xbf: {  	s0 =	sadd.s32 $0x8F2B, s0  }
0xc0: {  	[sflag:s0] =	ssyncadd.remote.s32 $0x1  }
0xc1: {  	_ =	sfence.sel $0xFFFF  }
0xc2: {  	[dreg:$0x0] =	wrdreg $0xFFFFFFFF;
	(pc) =	sbr.abs _section_cstart, $3  }
0xc3: {  	[dreg:$0x1] =	wrdreg $0xFFFFFFFF  }
0xc4: {  	_ =	task.clear_ibuf [dreg:s9], $0x2FFFF;
	_ =	strace $0x9FFFFFFF  }
0xc5: {  	(tm) =	ssettm $0x7FFFFFFF  }
tec
execute0_lowered:
.L_overlay_start_1:
0x0: {  	(tag) =	ssettag $0x1  }
0x1: {  	s3 =	rddreg [dreg:$0x0];
	s0 =	srdreg.scid  }
0x2: {  	s1 =	rddreg [dreg:$0x1];
	s14 =	stileid.u32  }
0x3: {  	s4 =	rddreg [dreg:$0x2];
	s2 =	simm.s32 $0x0;
	s12 =	simm.s32 $0x100  }
0x4: {  	s13 =	simm.s32 $0x180;
	s16 =	simm.s32 $0x200;
	[smem:$0x7FF] =	sst s2  }
0x5: {  	s17 =	simm.s32 $0x280;
	_ =	strace $0x80000047;
	[dreg:$0x6] =	wrdreg s12  }
0x6: {  	s18 =	simm.s32 $0x300;
	s19 =	simm.s32 $0x380;
	[dreg:$0x7] =	wrdreg s13  }
0x7: {  	s20 =	simm.s32 $0x400;
	s21 =	simm.s32 $0x480;
	[dreg:$0x8] =	wrdreg s16  }
0x8: {  	s22 =	simm.s32 $0x500;
	s23 =	simm.s32 $0x580;
	[dreg:$0x9] =	wrdreg s17  }
0x9: {  	s8 =	simm.s32 $0xD000;
	s24 =	simm.s32 $0x600;
	[dreg:$0xa] =	wrdreg s18  }
0xa: {  	s9 =	simm.s32 $0x1;
	s25 =	simm.s32 $0x680;
	[dreg:$0xb] =	wrdreg s19  }
0xb: {  	s10 =	simm.s32 $0x2;
	s26 =	simm.s32 $0x700;
	[dreg:$0xc] =	wrdreg s20  }
0xc: {  	s7 =	simm.s32 $0x4;
	s31 =	simm.s32 $0x800;
	[dreg:$0xd] =	wrdreg s21  }
0xd: {  	s30 =	simm.s32 $0x880;
	s29 =	simm.s32 $0x900;
	[dreg:$0xe] =	wrdreg s22  }
0xe: {  	s28 =	simm.s32 $0x980;
	p0 =	por $0x0, $0x0;
	[dreg:$0xf] =	wrdreg s23  }
0xf: {  	s0 =	sand.u32 $0x1, s0;
	s5 =	sshll.u32 s14, $0xD;
	[dreg:$0x10] =	wrdreg s24  }
0x10: {  	s6 =	sshll.u32 s0, $0xC;
	s0 =	ssub.s32 $0x2, s0;
	[dreg:$0x11] =	wrdreg s25  }
0x11: {  	s13 =	simm.s32 $0x5000;
	s12 =	simm.s32 $0x9000;
	[dreg:$0x12] =	wrdreg s26  }
0x12: {  	s20 =	simm.s32 $0x780;
	s26 =	simm.s32 $0xA00;
	s25 =	simm.s32 $0xA80  }
0x13: {  	s24 =	simm.s32 $0xB00;
	s23 =	simm.s32 $0xB80;
	s15 =	sshrl.u32 s0, $0x1  }
0x14: {  	s22 =	simm.s32 $0xC00;
	s21 =	simm.s32 $0xD00;
	s0 =	ssub.s32 s0, s15  }
0x15: {  	s19 =	simm.s32 $0xD80;
	s18 =	simm.s32 $0xE00;
	s0 =	smax.u32 s0, $0x1  }
0x16: {  	s17 =	simm.s32 $0xE80;
	s5 =	sor.u32 s6, s5;
	p1 =	sne.s32 s0, $0x1  }
.Ltmp0:
0x17: {  	s16 =	simm.s32 $0xF00;
	s6 =	sshrl.u32 s5, $0x3;
	(pc) =	sbr.rel @!p1 .LBB2_1-.Ltmp0, $4  }
0x18: {  	s5 =	sshll.u32 s5, $0x4;
	s15 =	simm.s32 $0xF80;
	s1 =	sadd.s32 s1, s6  }
0x19: {  	s11 =	sadd.s32 s4, s5;
	s4 =	simm.s32 $0x5;
	[dreg:$0x4] =	wrdreg s1  }
0x1a: {  	s6 =	simm.s32 $0x80;
	s5 =	simm.s32 $0x1000;
	[dreg:$0x5] =	wrdreg s11  }
0x1b: {  	s11 =	simm.s32 $0x3;
	s1 =	sadd.s32 $0xFFFFFFFF, s0;
	s0 =	rddreg [dreg:$0x4]  }
0x1c: {  	[tilespmem:s2], [sflag:$0x5] =	stream.linear.gather [hbm4b:s0+s2], $0x1000, $0x38;
	[tilespmem:$0x11000] =	vst v63  }
0x1d: {  	_ =	swait.ge [sflag:s4], $0x1000  }
0x1e: {  	[sflag:s4] =	ssyncset.done $0x0  }
0x1f: {  	[sflag:s4] =	ssyncadd.s32 $0xFFFFF000  }
0x20: {  	[tilespmem:s5], [sflag:$0x1] =	stream.indirect.gather [hbm4b:s3+s6], $0x80, s2, s6, $0xb8;
	[tilespmem:$0x11000] =	vst v63  }
0x21: {  	_ = 	snop  }
0x22: {  	[tilespmem:s13], [sflag:$0x2] =	stream.indirect.gather [hbm4b:s3+s6], $0x80, s6, s6, $0xb8;
	[tilespmem:$0x11000] =	vst v63  }
0x23: {  	s0 =	rddreg [dreg:$0x6]  }
0x24: {  	[tilespmem:s12], [sflag:$0x3] =	stream.indirect.gather [hbm4b:s3+s6], $0x80, s0, s6, $0xb8;
	[tilespmem:$0x11000] =	vst v63  }
0x25: {  	s14 =	smov.u32 s1;
	s1 =	rddreg [dreg:$0x7]  }
0x26: {  	[tilespmem:s8], [sflag:$0x4] =	stream.indirect.gather [hbm4b:s3+s6], $0x80, s1, s6, $0xb8;
	[tilespmem:$0x11000] =	vst v63  }
0x27: {  	_ =	swait.ge [sflag:s9], $0x4000  }
0x28: {  	[sflag:s9] =	ssyncset.done $0x0  }
0x29: {  	s1 =	rddreg [dreg:$0x8];
	[sflag:s9] =	ssyncadd.s32 $0xFFFFC000  }
0x2a: {  	[tilespmem:s5], [sflag:$0x1] =	stream.indirect.gather [hbm4b:s3+s6], $0x80, s1, s6, $0xb8;
	[tilespmem:$0x11000] =	vst v63  }
0x2b: {  	_ =	swait.ge [sflag:s10], $0x4000  }
0x2c: {  	[sflag:s10] =	ssyncset.done $0x0  }
0x2d: {  	s1 =	rddreg [dreg:$0x9];
	[sflag:s10] =	ssyncadd.s32 $0xFFFFC000  }
0x2e: {  	[tilespmem:s13], [sflag:$0x2] =	stream.indirect.gather [hbm4b:s3+s6], $0x80, s1, s6, $0xb8;
	[tilespmem:$0x11000] =	vst v63  }
0x2f: {  	_ =	swait.ge [sflag:s11], $0x4000  }
0x30: {  	[sflag:s11] =	ssyncset.done $0x0  }
0x31: {  	s1 =	rddreg [dreg:$0xa];
	[sflag:s11] =	ssyncadd.s32 $0xFFFFC000  }
0x32: {  	[tilespmem:s12], [sflag:$0x3] =	stream.indirect.gather [hbm4b:s3+s6], $0x80, s1, s6, $0xb8;
	[tilespmem:$0x11000] =	vst v63  }
0x33: {  	_ =	swait.ge [sflag:s7], $0x4000  }
0x34: {  	[sflag:s7] =	ssyncset.done $0x0  }
0x35: {  	s1 =	rddreg [dreg:$0xb];
	[sflag:s7] =	ssyncadd.s32 $0xFFFFC000  }
0x36: {  	[tilespmem:s8], [sflag:$0x4] =	stream.indirect.gather [hbm4b:s3+s6], $0x80, s1, s6, $0xb8;
	[tilespmem:$0x11000] =	vst v63  }
0x37: {  	_ =	swait.ge [sflag:s9], $0x4000  }
0x38: {  	[sflag:s9] =	ssyncset.done $0x0  }
0x39: {  	s1 =	rddreg [dreg:$0xc];
	[sflag:s9] =	ssyncadd.s32 $0xFFFFC000  }
0x3a: {  	[tilespmem:s5], [sflag:$0x1] =	stream.indirect.gather [hbm4b:s3+s6], $0x80, s1, s6, $0xb8;
	[tilespmem:$0x11000] =	vst v63  }
0x3b: {  	_ =	swait.ge [sflag:s10], $0x4000  }
0x3c: {  	[sflag:s10] =	ssyncset.done $0x0  }
0x3d: {  	s1 =	rddreg [dreg:$0xd];
	[sflag:s10] =	ssyncadd.s32 $0xFFFFC000  }
0x3e: {  	[tilespmem:s13], [sflag:$0x2] =	stream.indirect.gather [hbm4b:s3+s6], $0x80, s1, s6, $0xb8;
	[tilespmem:$0x11000] =	vst v63  }
0x3f: {  	_ =	swait.ge [sflag:s11], $0x4000  }
0x40: {  	[sflag:s11] =	ssyncset.done $0x0  }
0x41: {  	s1 =	rddreg [dreg:$0xe];
	[sflag:s11] =	ssyncadd.s32 $0xFFFFC000  }
0x42: {  	[tilespmem:s12], [sflag:$0x3] =	stream.indirect.gather [hbm4b:s3+s6], $0x80, s1, s6, $0xb8;
	[tilespmem:$0x11000] =	vst v63  }
0x43: {  	_ =	swait.ge [sflag:s7], $0x4000  }
0x44: {  	[sflag:s7] =	ssyncset.done $0x0  }
0x45: {  	s1 =	rddreg [dreg:$0xf];
	[sflag:s7] =	ssyncadd.s32 $0xFFFFC000  }
0x46: {  	[tilespmem:s8], [sflag:$0x4] =	stream.indirect.gather [hbm4b:s3+s6], $0x80, s1, s6, $0xb8;
	[tilespmem:$0x11000] =	vst v63  }
0x47: {  	_ =	swait.ge [sflag:s9], $0x4000  }
0x48: {  	[sflag:s9] =	ssyncset.done $0x0  }
0x49: {  	s1 =	rddreg [dreg:$0x10];
	[sflag:s9] =	ssyncadd.s32 $0xFFFFC000  }
0x4a: {  	[tilespmem:s5], [sflag:$0x1] =	stream.indirect.gather [hbm4b:s3+s6], $0x80, s1, s6, $0xb8;
	[tilespmem:$0x11000] =	vst v63  }
0x4b: {  	_ =	swait.ge [sflag:s10], $0x4000  }
0x4c: {  	[sflag:s10] =	ssyncset.done $0x0  }
0x4d: {  	s1 =	rddreg [dreg:$0x11];
	[sflag:s10] =	ssyncadd.s32 $0xFFFFC000  }
0x4e: {  	[tilespmem:s13], [sflag:$0x2] =	stream.indirect.gather [hbm4b:s3+s6], $0x80, s1, s6, $0xb8;
	[tilespmem:$0x11000] =	vst v63  }
0x4f: {  	_ =	swait.ge [sflag:s11], $0x4000  }
0x50: {  	[sflag:s11] =	ssyncset.done $0x0  }
0x51: {  	s1 =	rddreg [dreg:$0x12];
	[sflag:s11] =	ssyncadd.s32 $0xFFFFC000  }
0x52: {  	[tilespmem:s12], [sflag:$0x3] =	stream.indirect.gather [hbm4b:s3+s6], $0x80, s1, s6, $0xb8;
	[tilespmem:$0x11000] =	vst v63  }
0x53: {  	_ =	swait.ge [sflag:s7], $0x4000  }
0x54: {  	[sflag:s7] =	ssyncset.done $0x0  }
0x55: {  	[sflag:s7] =	ssyncadd.s32 $0xFFFFC000  }
0x56: {  	[tilespmem:s8], [sflag:$0x4] =	stream.indirect.gather [hbm4b:s3+s6], $0x80, s20, s6, $0xb8;
	[tilespmem:$0x11000] =	vst v63  }
0x57: {  	_ =	swait.ge [sflag:s9], $0x4000  }
0x58: {  	[sflag:s9] =	ssyncset.done $0x0  }
0x59: {  	[sflag:s9] =	ssyncadd.s32 $0xFFFFC000  }
0x5a: {  	[tilespmem:s5], [sflag:$0x1] =	stream.indirect.gather [hbm4b:s3+s6], $0x80, s31, s6, $0xb8;
	[tilespmem:$0x11000] =	vst v63  }
0x5b: {  	_ =	swait.ge [sflag:s10], $0x4000  }
0x5c: {  	[sflag:s10] =	ssyncset.done $0x0  }
0x5d: {  	[sflag:s10] =	ssyncadd.s32 $0xFFFFC000  }
0x5e: {  	[tilespmem:s13], [sflag:$0x2] =	stream.indirect.gather [hbm4b:s3+s6], $0x80, s30, s6, $0xb8;
	[tilespmem:$0x11000] =	vst v63  }
0x5f: {  	_ =	swait.ge [sflag:s11], $0x4000  }
0x60: {  	[sflag:s11] =	ssyncset.done $0x0  }
0x61: {  	[sflag:s11] =	ssyncadd.s32 $0xFFFFC000  }
0x62: {  	[tilespmem:s12], [sflag:$0x3] =	stream.indirect.gather [hbm4b:s3+s6], $0x80, s29, s6, $0xb8;
	[tilespmem:$0x11000] =	vst v63  }
0x63: {  	_ =	swait.ge [sflag:s7], $0x4000  }
0x64: {  	[sflag:s7] =	ssyncset.done $0x0  }
0x65: {  	[sflag:s7] =	ssyncadd.s32 $0xFFFFC000  }
0x66: {  	[tilespmem:s8], [sflag:$0x4] =	stream.indirect.gather [hbm4b:s3+s6], $0x80, s28, s6, $0xb8;
	[tilespmem:$0x11000] =	vst v63  }
0x67: {  	_ =	swait.ge [sflag:s9], $0x4000  }
0x68: {  	[sflag:s9] =	ssyncset.done $0x0  }
0x69: {  	[sflag:s9] =	ssyncadd.s32 $0xFFFFC000  }
0x6a: {  	[tilespmem:s5], [sflag:$0x1] =	stream.indirect.gather [hbm4b:s3+s6], $0x80, s26, s6, $0xb8;
	[tilespmem:$0x11000] =	vst v63  }
0x6b: {  	_ =	swait.ge [sflag:s10], $0x4000  }
0x6c: {  	[sflag:s10] =	ssyncset.done $0x0  }
0x6d: {  	[sflag:s10] =	ssyncadd.s32 $0xFFFFC000  }
0x6e: {  	[tilespmem:s13], [sflag:$0x2] =	stream.indirect.gather [hbm4b:s3+s6], $0x80, s25, s6, $0xb8;
	[tilespmem:$0x11000] =	vst v63  }
0x6f: {  	_ =	swait.ge [sflag:s11], $0x4000  }
0x70: {  	[sflag:s11] =	ssyncset.done $0x0  }
0x71: {  	[sflag:s11] =	ssyncadd.s32 $0xFFFFC000  }
0x72: {  	[tilespmem:s12], [sflag:$0x3] =	stream.indirect.gather [hbm4b:s3+s6], $0x80, s24, s6, $0xb8;
	[tilespmem:$0x11000] =	vst v63  }
0x73: {  	_ =	swait.ge [sflag:s7], $0x4000  }
0x74: {  	[sflag:s7] =	ssyncset.done $0x0  }
0x75: {  	[sflag:s7] =	ssyncadd.s32 $0xFFFFC000  }
0x76: {  	[tilespmem:s8], [sflag:$0x4] =	stream.indirect.gather [hbm4b:s3+s6], $0x80, s23, s6, $0xb8;
	[tilespmem:$0x11000] =	vst v63  }
0x77: {  	_ =	swait.ge [sflag:s9], $0x4000  }
0x78: {  	[sflag:s9] =	ssyncset.done $0x0  }
0x79: {  	[sflag:s9] =	ssyncadd.s32 $0xFFFFC000  }
0x7a: {  	[tilespmem:s5], [sflag:$0x1] =	stream.indirect.gather [hbm4b:s3+s6], $0x80, s22, s6, $0xb8;
	[tilespmem:$0x11000] =	vst v63  }
0x7b: {  	_ =	swait.ge [sflag:s10], $0x4000  }
0x7c: {  	[sflag:s10] =	ssyncset.done $0x0  }
0x7d: {  	s1 =	simm.s32 $0xC80;
	[sflag:s10] =	ssyncadd.s32 $0xFFFFC000  }
0x7e: {  	[tilespmem:s13], [sflag:$0x2] =	stream.indirect.gather [hbm4b:s3+s6], $0x80, s1, s6, $0xb8;
	[tilespmem:$0x11000] =	vst v63  }
0x7f: {  	_ =	swait.ge [sflag:s11], $0x4000  }
0x80: {  	[sflag:s11] =	ssyncset.done $0x0  }
0x81: {  	[sflag:s11] =	ssyncadd.s32 $0xFFFFC000  }
0x82: {  	[tilespmem:s12], [sflag:$0x3] =	stream.indirect.gather [hbm4b:s3+s6], $0x80, s21, s6, $0xb8;
	[tilespmem:$0x11000] =	vst v63  }
0x83: {  	_ =	swait.ge [sflag:s7], $0x4000  }
0x84: {  	[sflag:s7] =	ssyncset.done $0x0  }
0x85: {  	[sflag:s7] =	ssyncadd.s32 $0xFFFFC000  }
0x86: {  	[tilespmem:s8], [sflag:$0x4] =	stream.indirect.gather [hbm4b:s3+s6], $0x80, s19, s6, $0xb8;
	[tilespmem:$0x11000] =	vst v63  }
0x87: {  	_ =	swait.ge [sflag:s9], $0x4000  }
0x88: {  	[sflag:s9] =	ssyncset.done $0x0  }
0x89: {  	[sflag:s9] =	ssyncadd.s32 $0xFFFFC000  }
0x8a: {  	[tilespmem:s5], [sflag:$0x1] =	stream.indirect.gather [hbm4b:s3+s6], $0x80, s18, s6, $0xb8;
	[tilespmem:$0x11000] =	vst v63  }
0x8b: {  	_ =	swait.ge [sflag:s10], $0x4000  }
0x8c: {  	[sflag:s10] =	ssyncset.done $0x0  }
0x8d: {  	[sflag:s10] =	ssyncadd.s32 $0xFFFFC000  }
0x8e: {  	[tilespmem:s13], [sflag:$0x2] =	stream.indirect.gather [hbm4b:s3+s6], $0x80, s17, s6, $0xb8;
	[tilespmem:$0x11000] =	vst v63  }
0x8f: {  	_ =	swait.ge [sflag:s11], $0x4000  }
0x90: {  	[sflag:s11] =	ssyncset.done $0x0  }
0x91: {  	[sflag:s11] =	ssyncadd.s32 $0xFFFFC000  }
0x92: {  	[tilespmem:s12], [sflag:$0x3] =	stream.indirect.gather [hbm4b:s3+s6], $0x80, s16, s6, $0xb8;
	[tilespmem:$0x11000] =	vst v63  }
0x93: {  	_ =	swait.ge [sflag:s7], $0x4000  }
0x94: {  	[sflag:s7] =	ssyncset.done $0x0  }
0x95: {  	[sflag:s7] =	ssyncadd.s32 $0xFFFFC000  }
0x96: {  	[tilespmem:s8], [sflag:$0x4] =	stream.indirect.gather [hbm4b:s3+s6], $0x80, s15, s6, $0xb8;
	[tilespmem:$0x11000] =	vst v63  }
0x97: {  	_ =	swait.ge [sflag:s9], $0x4000  }
0x98: {  	[sflag:s9] =	ssyncset.done $0x0  }
0x99: {  	[sflag:s9] =	ssyncadd.s32 $0xFFFFC000  }
0x9a: {  	_ =	swait.ge [sflag:s10], $0x4000  }
0x9b: {  	[sflag:s10] =	ssyncset.done $0x0  }
0x9c: {  	[sflag:s10] =	ssyncadd.s32 $0xFFFFC000  }
0x9d: {  	_ =	swait.ge [sflag:s11], $0x4000  }
0x9e: {  	[sflag:s11] =	ssyncset.done $0x0  }
0x9f: {  	[sflag:s11] =	ssyncadd.s32 $0xFFFFC000  }
0xa0: {  	p1 =	sne.s32 s14, $0x1;
	_ =	swait.ge [sflag:s7], $0x4000  }
.Ltmp1:
0xa1: {  	[sflag:s7] =	ssyncset.done $0x0;
	(pc) =	sbr.rel @!p1 .LBB2_3-.Ltmp1, $4  }
0xa2: {  	s1 =	rddreg [dreg:$0x5];
	[sflag:s7] =	ssyncadd.s32 $0xFFFFC000  }
0xa3: {  	[hbm4b:s1+s2] =	stream.linear.scatter [tilespmem:s5], [sflag:$0x5], $0x4000, $0x38;
	[tilespmem:$0x11000] =	vst v63  }
0xa4: {  	p0 =	por $0x1, $0x1;
	_ =	swait.ge [sflag:s4], $0x4000  }
0xa5: {  	s1 =	sadd.s32 $0xFFFFFFFF, s14;
	s0 =	rddreg [dreg:$0x4];
	[sflag:s4] =	ssyncset.done $0x0  }
.LBB2_4:
0xa6: {  	[sflag:s4] =	ssyncadd.s32 $0xFFFFC000  }
0xa7: {  	[tilespmem:s2], [sflag:$0x5] =	stream.linear.gather [hbm4b:s0+s2], $0x1000, $0x38;
	[tilespmem:$0x11000] =	vst v63  }
0xa8: {  	_ =	swait.ge [sflag:s4], $0x1000  }
0xa9: {  	[sflag:s4] =	ssyncset.done $0x0  }
0xaa: {  	[sflag:s4] =	ssyncadd.s32 $0xFFFFF000  }
0xab: {  	[tilespmem:s5], [sflag:$0x1] =	stream.indirect.gather [hbm4b:s3+s6], $0x80, s2, s6, $0xb8;
	[tilespmem:$0x11000] =	vst v63  }
0xac: {  	_ = 	snop  }
0xad: {  	[tilespmem:s13], [sflag:$0x2] =	stream.indirect.gather [hbm4b:s3+s6], $0x80, s6, s6, $0xb8;
	[tilespmem:$0x11000] =	vst v63  }
0xae: {  	s0 =	rddreg [dreg:$0x6]  }
0xaf: {  	[tilespmem:s12], [sflag:$0x3] =	stream.indirect.gather [hbm4b:s3+s6], $0x80, s0, s6, $0xb8;
	[tilespmem:$0x11000] =	vst v63  }
0xb0: {  	s14 =	rddreg [dreg:$0x7]  }
0xb1: {  	[tilespmem:s8], [sflag:$0x4] =	stream.indirect.gather [hbm4b:s3+s6], $0x80, s14, s6, $0xb8;
	[tilespmem:$0x11000] =	vst v63  }
0xb2: {  	_ =	swait.ge [sflag:s9], $0x4000  }
0xb3: {  	[sflag:s9] =	ssyncset.done $0x0  }
0xb4: {  	s14 =	rddreg [dreg:$0x8];
	[sflag:s9] =	ssyncadd.s32 $0xFFFFC000  }
0xb5: {  	[tilespmem:s5], [sflag:$0x1] =	stream.indirect.gather [hbm4b:s3+s6], $0x80, s14, s6, $0xb8;
	[tilespmem:$0x11000] =	vst v63  }
0xb6: {  	_ =	swait.ge [sflag:s10], $0x4000  }
0xb7: {  	[sflag:s10] =	ssyncset.done $0x0  }
0xb8: {  	s14 =	rddreg [dreg:$0x9];
	[sflag:s10] =	ssyncadd.s32 $0xFFFFC000  }
0xb9: {  	[tilespmem:s13], [sflag:$0x2] =	stream.indirect.gather [hbm4b:s3+s6], $0x80, s14, s6, $0xb8;
	[tilespmem:$0x11000] =	vst v63  }
0xba: {  	_ =	swait.ge [sflag:s11], $0x4000  }
0xbb: {  	[sflag:s11] =	ssyncset.done $0x0  }
0xbc: {  	s14 =	rddreg [dreg:$0xa];
	[sflag:s11] =	ssyncadd.s32 $0xFFFFC000  }
0xbd: {  	[tilespmem:s12], [sflag:$0x3] =	stream.indirect.gather [hbm4b:s3+s6], $0x80, s14, s6, $0xb8;
	[tilespmem:$0x11000] =	vst v63  }
0xbe: {  	_ =	swait.ge [sflag:s7], $0x4000  }
0xbf: {  	[sflag:s7] =	ssyncset.done $0x0  }
0xc0: {  	s14 =	rddreg [dreg:$0xb];
	[sflag:s7] =	ssyncadd.s32 $0xFFFFC000  }
0xc1: {  	[tilespmem:s8], [sflag:$0x4] =	stream.indirect.gather [hbm4b:s3+s6], $0x80, s14, s6, $0xb8;
	[tilespmem:$0x11000] =	vst v63  }
0xc2: {  	_ =	swait.ge [sflag:s9], $0x4000  }
0xc3: {  	[sflag:s9] =	ssyncset.done $0x0  }
0xc4: {  	s14 =	rddreg [dreg:$0xc];
	[sflag:s9] =	ssyncadd.s32 $0xFFFFC000  }
0xc5: {  	[tilespmem:s5], [sflag:$0x1] =	stream.indirect.gather [hbm4b:s3+s6], $0x80, s14, s6, $0xb8;
	[tilespmem:$0x11000] =	vst v63  }
0xc6: {  	_ =	swait.ge [sflag:s10], $0x4000  }
0xc7: {  	[sflag:s10] =	ssyncset.done $0x0  }
0xc8: {  	s14 =	rddreg [dreg:$0xd];
	[sflag:s10] =	ssyncadd.s32 $0xFFFFC000  }
0xc9: {  	[tilespmem:s13], [sflag:$0x2] =	stream.indirect.gather [hbm4b:s3+s6], $0x80, s14, s6, $0xb8;
	[tilespmem:$0x11000] =	vst v63  }
0xca: {  	_ =	swait.ge [sflag:s11], $0x4000  }
0xcb: {  	[sflag:s11] =	ssyncset.done $0x0  }
0xcc: {  	s14 =	rddreg [dreg:$0xe];
	[sflag:s11] =	ssyncadd.s32 $0xFFFFC000  }
0xcd: {  	[tilespmem:s12], [sflag:$0x3] =	stream.indirect.gather [hbm4b:s3+s6], $0x80, s14, s6, $0xb8;
	[tilespmem:$0x11000] =	vst v63  }
0xce: {  	_ =	swait.ge [sflag:s7], $0x4000  }
0xcf: {  	[sflag:s7] =	ssyncset.done $0x0  }
0xd0: {  	s14 =	rddreg [dreg:$0xf];
	[sflag:s7] =	ssyncadd.s32 $0xFFFFC000  }
0xd1: {  	[tilespmem:s8], [sflag:$0x4] =	stream.indirect.gather [hbm4b:s3+s6], $0x80, s14, s6, $0xb8;
	[tilespmem:$0x11000] =	vst v63  }
0xd2: {  	_ =	swait.ge [sflag:s9], $0x4000  }
0xd3: {  	[sflag:s9] =	ssyncset.done $0x0  }
0xd4: {  	s14 =	rddreg [dreg:$0x10];
	[sflag:s9] =	ssyncadd.s32 $0xFFFFC000  }
0xd5: {  	[tilespmem:s5], [sflag:$0x1] =	stream.indirect.gather [hbm4b:s3+s6], $0x80, s14, s6, $0xb8;
	[tilespmem:$0x11000] =	vst v63  }
0xd6: {  	_ =	swait.ge [sflag:s10], $0x4000  }
0xd7: {  	[sflag:s10] =	ssyncset.done $0x0  }
0xd8: {  	s14 =	rddreg [dreg:$0x11];
	[sflag:s10] =	ssyncadd.s32 $0xFFFFC000  }
0xd9: {  	[tilespmem:s13], [sflag:$0x2] =	stream.indirect.gather [hbm4b:s3+s6], $0x80, s14, s6, $0xb8;
	[tilespmem:$0x11000] =	vst v63  }
0xda: {  	_ =	swait.ge [sflag:s11], $0x4000  }
0xdb: {  	[sflag:s11] =	ssyncset.done $0x0  }
0xdc: {  	s14 =	rddreg [dreg:$0x12];
	[sflag:s11] =	ssyncadd.s32 $0xFFFFC000  }
0xdd: {  	[tilespmem:s12], [sflag:$0x3] =	stream.indirect.gather [hbm4b:s3+s6], $0x80, s14, s6, $0xb8;
	[tilespmem:$0x11000] =	vst v63  }
0xde: {  	_ =	swait.ge [sflag:s7], $0x4000  }
0xdf: {  	[sflag:s7] =	ssyncset.done $0x0  }
0xe0: {  	[sflag:s7] =	ssyncadd.s32 $0xFFFFC000  }
0xe1: {  	[tilespmem:s8], [sflag:$0x4] =	stream.indirect.gather [hbm4b:s3+s6], $0x80, s20, s6, $0xb8;
	[tilespmem:$0x11000] =	vst v63  }
0xe2: {  	_ =	swait.ge [sflag:s9], $0x4000  }
0xe3: {  	[sflag:s9] =	ssyncset.done $0x0  }
0xe4: {  	[sflag:s9] =	ssyncadd.s32 $0xFFFFC000  }
0xe5: {  	[tilespmem:s5], [sflag:$0x1] =	stream.indirect.gather [hbm4b:s3+s6], $0x80, s31, s6, $0xb8;
	[tilespmem:$0x11000] =	vst v63  }
0xe6: {  	_ =	swait.ge [sflag:s10], $0x4000  }
0xe7: {  	[sflag:s10] =	ssyncset.done $0x0  }
0xe8: {  	[sflag:s10] =	ssyncadd.s32 $0xFFFFC000  }
0xe9: {  	[tilespmem:s13], [sflag:$0x2] =	stream.indirect.gather [hbm4b:s3+s6], $0x80, s30, s6, $0xb8;
	[tilespmem:$0x11000] =	vst v63  }
0xea: {  	_ =	swait.ge [sflag:s11], $0x4000  }
0xeb: {  	[sflag:s11] =	ssyncset.done $0x0  }
0xec: {  	[sflag:s11] =	ssyncadd.s32 $0xFFFFC000  }
0xed: {  	[tilespmem:s12], [sflag:$0x3] =	stream.indirect.gather [hbm4b:s3+s6], $0x80, s29, s6, $0xb8;
	[tilespmem:$0x11000] =	vst v63  }
0xee: {  	_ =	swait.ge [sflag:s7], $0x4000  }
0xef: {  	[sflag:s7] =	ssyncset.done $0x0  }
0xf0: {  	[sflag:s7] =	ssyncadd.s32 $0xFFFFC000  }
0xf1: {  	[tilespmem:s8], [sflag:$0x4] =	stream.indirect.gather [hbm4b:s3+s6], $0x80, s28, s6, $0xb8;
	[tilespmem:$0x11000] =	vst v63  }
0xf2: {  	_ =	swait.ge [sflag:s9], $0x4000  }
0xf3: {  	[sflag:s9] =	ssyncset.done $0x0  }
0xf4: {  	[sflag:s9] =	ssyncadd.s32 $0xFFFFC000  }
0xf5: {  	[tilespmem:s5], [sflag:$0x1] =	stream.indirect.gather [hbm4b:s3+s6], $0x80, s26, s6, $0xb8;
	[tilespmem:$0x11000] =	vst v63  }
0xf6: {  	_ =	swait.ge [sflag:s10], $0x4000  }
0xf7: {  	[sflag:s10] =	ssyncset.done $0x0  }
0xf8: {  	[sflag:s10] =	ssyncadd.s32 $0xFFFFC000  }
0xf9: {  	[tilespmem:s13], [sflag:$0x2] =	stream.indirect.gather [hbm4b:s3+s6], $0x80, s25, s6, $0xb8;
	[tilespmem:$0x11000] =	vst v63  }
0xfa: {  	_ =	swait.ge [sflag:s11], $0x4000  }
0xfb: {  	[sflag:s11] =	ssyncset.done $0x0  }
0xfc: {  	[sflag:s11] =	ssyncadd.s32 $0xFFFFC000  }
0xfd: {  	[tilespmem:s12], [sflag:$0x3] =	stream.indirect.gather [hbm4b:s3+s6], $0x80, s24, s6, $0xb8;
	[tilespmem:$0x11000] =	vst v63  }
0xfe: {  	_ =	swait.ge [sflag:s7], $0x4000  }
0xff: {  	[sflag:s7] =	ssyncset.done $0x0  }
0x100: {  	[sflag:s7] =	ssyncadd.s32 $0xFFFFC000  }
0x101: {  	[tilespmem:s8], [sflag:$0x4] =	stream.indirect.gather [hbm4b:s3+s6], $0x80, s23, s6, $0xb8;
	[tilespmem:$0x11000] =	vst v63  }
0x102: {  	_ =	swait.ge [sflag:s9], $0x4000  }
0x103: {  	[sflag:s9] =	ssyncset.done $0x0  }
0x104: {  	[sflag:s9] =	ssyncadd.s32 $0xFFFFC000  }
0x105: {  	[tilespmem:s5], [sflag:$0x1] =	stream.indirect.gather [hbm4b:s3+s6], $0x80, s22, s6, $0xb8;
	[tilespmem:$0x11000] =	vst v63  }
0x106: {  	_ =	swait.ge [sflag:s10], $0x4000  }
0x107: {  	[sflag:s10] =	ssyncset.done $0x0  }
0x108: {  	s14 =	simm.s32 $0xC80;
	[sflag:s10] =	ssyncadd.s32 $0xFFFFC000  }
0x109: {  	[tilespmem:s13], [sflag:$0x2] =	stream.indirect.gather [hbm4b:s3+s6], $0x80, s14, s6, $0xb8;
	[tilespmem:$0x11000] =	vst v63  }
0x10a: {  	_ =	swait.ge [sflag:s11], $0x4000  }
0x10b: {  	[sflag:s11] =	ssyncset.done $0x0  }
0x10c: {  	[sflag:s11] =	ssyncadd.s32 $0xFFFFC000  }
0x10d: {  	[tilespmem:s12], [sflag:$0x3] =	stream.indirect.gather [hbm4b:s3+s6], $0x80, s21, s6, $0xb8;
	[tilespmem:$0x11000] =	vst v63  }
0x10e: {  	_ =	swait.ge [sflag:s7], $0x4000  }
0x10f: {  	[sflag:s7] =	ssyncset.done $0x0  }
0x110: {  	[sflag:s7] =	ssyncadd.s32 $0xFFFFC000  }
0x111: {  	[tilespmem:s8], [sflag:$0x4] =	stream.indirect.gather [hbm4b:s3+s6], $0x80, s19, s6, $0xb8;
	[tilespmem:$0x11000] =	vst v63  }
0x112: {  	_ =	swait.ge [sflag:s9], $0x4000  }
0x113: {  	[sflag:s9] =	ssyncset.done $0x0  }
0x114: {  	[sflag:s9] =	ssyncadd.s32 $0xFFFFC000  }
0x115: {  	[tilespmem:s5], [sflag:$0x1] =	stream.indirect.gather [hbm4b:s3+s6], $0x80, s18, s6, $0xb8;
	[tilespmem:$0x11000] =	vst v63  }
0x116: {  	_ =	swait.ge [sflag:s10], $0x4000  }
0x117: {  	[sflag:s10] =	ssyncset.done $0x0  }
0x118: {  	[sflag:s10] =	ssyncadd.s32 $0xFFFFC000  }
0x119: {  	[tilespmem:s13], [sflag:$0x2] =	stream.indirect.gather [hbm4b:s3+s6], $0x80, s17, s6, $0xb8;
	[tilespmem:$0x11000] =	vst v63  }
0x11a: {  	_ =	swait.ge [sflag:s11], $0x4000  }
0x11b: {  	[sflag:s11] =	ssyncset.done $0x0  }
0x11c: {  	[sflag:s11] =	ssyncadd.s32 $0xFFFFC000  }
0x11d: {  	[tilespmem:s12], [sflag:$0x3] =	stream.indirect.gather [hbm4b:s3+s6], $0x80, s16, s6, $0xb8;
	[tilespmem:$0x11000] =	vst v63  }
0x11e: {  	_ =	swait.ge [sflag:s7], $0x4000  }
0x11f: {  	[sflag:s7] =	ssyncset.done $0x0  }
0x120: {  	[sflag:s7] =	ssyncadd.s32 $0xFFFFC000  }
0x121: {  	[tilespmem:s8], [sflag:$0x4] =	stream.indirect.gather [hbm4b:s3+s6], $0x80, s15, s6, $0xb8;
	[tilespmem:$0x11000] =	vst v63  }
0x122: {  	_ =	swait.ge [sflag:s9], $0x4000  }
0x123: {  	[sflag:s9] =	ssyncset.done $0x0  }
0x124: {  	[sflag:s9] =	ssyncadd.s32 $0xFFFFC000  }
0x125: {  	_ =	swait.ge [sflag:s10], $0x4000  }
0x126: {  	[sflag:s10] =	ssyncset.done $0x0  }
0x127: {  	[sflag:s10] =	ssyncadd.s32 $0xFFFFC000  }
0x128: {  	_ =	swait.ge [sflag:s11], $0x4000  }
0x129: {  	[sflag:s11] =	ssyncset.done $0x0  }
0x12a: {  	[sflag:s11] =	ssyncadd.s32 $0xFFFFC000  }
0x12b: {  	p1 =	sne.s32 s1, $0x1;
	_ =	swait.ge [sflag:s7], $0x4000  }
.Ltmp2:
0x12c: {  	[sflag:s7] =	ssyncset.done $0x0;
	(pc) =	sbr.rel @p1 .LBB2_4-.Ltmp2, $4  }
0x12d: {  	s14 =	rddreg [dreg:$0x5];
	[sflag:s7] =	ssyncadd.s32 $0xFFFFC000  }
0x12e: {  	[hbm4b:s14+s2] =	stream.linear.scatter [tilespmem:s5], [sflag:$0x5], $0x4000, $0x38;
	[tilespmem:$0x11000] =	vst v63  }
0x12f: {  	_ =	swait.ge [sflag:s4], $0x4000  }
0x130: {  	s1 =	sadd.s32 $0xFFFFFFFF, s1;
	s0 =	rddreg [dreg:$0x4];
	[sflag:s4] =	ssyncset.done $0x0  }
0x131: {  	s15 =	simm.s32 $0x780;
	s31 =	simm.s32 $0x800  }
0x132: {  	s30 =	simm.s32 $0x880;
	s29 =	simm.s32 $0x900;
	s28 =	simm.s32 $0x980  }
0x133: {  	s26 =	simm.s32 $0xA00;
	s25 =	simm.s32 $0xA80;
	s24 =	simm.s32 $0xB00  }
0x134: {  	s23 =	simm.s32 $0xB80;
	s22 =	simm.s32 $0xC00;
	s21 =	simm.s32 $0xD00  }
0x135: {  	s20 =	simm.s32 $0xC80;
	s19 =	simm.s32 $0xD80;
	s18 =	simm.s32 $0xE00  }
0x136: {  	s17 =	simm.s32 $0xE80;
	s16 =	simm.s32 $0xF00;
	s14 =	stileid.u32  }
.LBB2_6:
0x137: {  	[sflag:s4] =	ssyncadd.s32 @p0 $0xFFFFC000  }
0x138: {  	[tilespmem:s2], [sflag:$0x5] =	stream.linear.gather [hbm4b:s0+s2], $0x1000, $0x38;
	[tilespmem:$0x11000] =	vst v63  }
0x139: {  	_ =	swait.ge [sflag:s4], $0x1000  }
0x13a: {  	[sflag:s4] =	ssyncset.done $0x0  }
0x13b: {  	[sflag:s4] =	ssyncadd.s32 $0xFFFFF000  }
0x13c: {  	[tilespmem:s5], [sflag:$0x1] =	stream.indirect.gather [hbm4b:s3+s6], $0x80, s2, s6, $0xb8;
	[tilespmem:$0x11000] =	vst v63  }
0x13d: {  	_ = 	snop  }
0x13e: {  	[tilespmem:s13], [sflag:$0x2] =	stream.indirect.gather [hbm4b:s3+s6], $0x80, s6, s6, $0xb8;
	[tilespmem:$0x11000] =	vst v63  }
0x13f: {  	s0 =	rddreg [dreg:$0x6]  }
0x140: {  	[tilespmem:s12], [sflag:$0x3] =	stream.indirect.gather [hbm4b:s3+s6], $0x80, s0, s6, $0xb8;
	[tilespmem:$0x11000] =	vst v63  }
0x141: {  	s1 =	rddreg [dreg:$0x7]  }
0x142: {  	[tilespmem:s8], [sflag:$0x4] =	stream.indirect.gather [hbm4b:s3+s6], $0x80, s1, s6, $0xb8;
	[tilespmem:$0x11000] =	vst v63  }
0x143: {  	_ =	swait.ge [sflag:s9], $0x4000  }
0x144: {  	[sflag:s9] =	ssyncset.done $0x0  }
0x145: {  	s1 =	rddreg [dreg:$0x8];
	[sflag:s9] =	ssyncadd.s32 $0xFFFFC000  }
0x146: {  	[tilespmem:s5], [sflag:$0x1] =	stream.indirect.gather [hbm4b:s3+s6], $0x80, s1, s6, $0xb8;
	[tilespmem:$0x11000] =	vst v63  }
0x147: {  	_ =	swait.ge [sflag:s10], $0x4000  }
0x148: {  	[sflag:s10] =	ssyncset.done $0x0  }
0x149: {  	s1 =	rddreg [dreg:$0x9];
	[sflag:s10] =	ssyncadd.s32 $0xFFFFC000  }
0x14a: {  	[tilespmem:s13], [sflag:$0x2] =	stream.indirect.gather [hbm4b:s3+s6], $0x80, s1, s6, $0xb8;
	[tilespmem:$0x11000] =	vst v63  }
0x14b: {  	_ =	swait.ge [sflag:s11], $0x4000  }
0x14c: {  	[sflag:s11] =	ssyncset.done $0x0  }
0x14d: {  	s1 =	rddreg [dreg:$0xa];
	[sflag:s11] =	ssyncadd.s32 $0xFFFFC000  }
0x14e: {  	[tilespmem:s12], [sflag:$0x3] =	stream.indirect.gather [hbm4b:s3+s6], $0x80, s1, s6, $0xb8;
	[tilespmem:$0x11000] =	vst v63  }
0x14f: {  	_ =	swait.ge [sflag:s7], $0x4000  }
0x150: {  	[sflag:s7] =	ssyncset.done $0x0  }
0x151: {  	s1 =	rddreg [dreg:$0xb];
	[sflag:s7] =	ssyncadd.s32 $0xFFFFC000  }
0x152: {  	[tilespmem:s8], [sflag:$0x4] =	stream.indirect.gather [hbm4b:s3+s6], $0x80, s1, s6, $0xb8;
	[tilespmem:$0x11000] =	vst v63  }
0x153: {  	_ =	swait.ge [sflag:s9], $0x4000  }
0x154: {  	[sflag:s9] =	ssyncset.done $0x0  }
0x155: {  	s1 =	rddreg [dreg:$0xc];
	[sflag:s9] =	ssyncadd.s32 $0xFFFFC000  }
0x156: {  	[tilespmem:s5], [sflag:$0x1] =	stream.indirect.gather [hbm4b:s3+s6], $0x80, s1, s6, $0xb8;
	[tilespmem:$0x11000] =	vst v63  }
0x157: {  	_ =	swait.ge [sflag:s10], $0x4000  }
0x158: {  	[sflag:s10] =	ssyncset.done $0x0  }
0x159: {  	s1 =	rddreg [dreg:$0xd];
	[sflag:s10] =	ssyncadd.s32 $0xFFFFC000  }
0x15a: {  	[tilespmem:s13], [sflag:$0x2] =	stream.indirect.gather [hbm4b:s3+s6], $0x80, s1, s6, $0xb8;
	[tilespmem:$0x11000] =	vst v63  }
0x15b: {  	_ =	swait.ge [sflag:s11], $0x4000  }
0x15c: {  	[sflag:s11] =	ssyncset.done $0x0  }
0x15d: {  	s1 =	rddreg [dreg:$0xe];
	[sflag:s11] =	ssyncadd.s32 $0xFFFFC000  }
0x15e: {  	[tilespmem:s12], [sflag:$0x3] =	stream.indirect.gather [hbm4b:s3+s6], $0x80, s1, s6, $0xb8;
	[tilespmem:$0x11000] =	vst v63  }
0x15f: {  	_ =	swait.ge [sflag:s7], $0x4000  }
0x160: {  	[sflag:s7] =	ssyncset.done $0x0  }
0x161: {  	s1 =	rddreg [dreg:$0xf];
	[sflag:s7] =	ssyncadd.s32 $0xFFFFC000  }
0x162: {  	[tilespmem:s8], [sflag:$0x4] =	stream.indirect.gather [hbm4b:s3+s6], $0x80, s1, s6, $0xb8;
	[tilespmem:$0x11000] =	vst v63  }
0x163: {  	_ =	swait.ge [sflag:s9], $0x4000  }
0x164: {  	[sflag:s9] =	ssyncset.done $0x0  }
0x165: {  	s1 =	rddreg [dreg:$0x10];
	[sflag:s9] =	ssyncadd.s32 $0xFFFFC000  }
0x166: {  	[tilespmem:s5], [sflag:$0x1] =	stream.indirect.gather [hbm4b:s3+s6], $0x80, s1, s6, $0xb8;
	[tilespmem:$0x11000] =	vst v63  }
0x167: {  	_ =	swait.ge [sflag:s10], $0x4000  }
0x168: {  	[sflag:s10] =	ssyncset.done $0x0  }
0x169: {  	s1 =	rddreg [dreg:$0x11];
	[sflag:s10] =	ssyncadd.s32 $0xFFFFC000  }
0x16a: {  	[tilespmem:s13], [sflag:$0x2] =	stream.indirect.gather [hbm4b:s3+s6], $0x80, s1, s6, $0xb8;
	[tilespmem:$0x11000] =	vst v63  }
0x16b: {  	_ =	swait.ge [sflag:s11], $0x4000  }
0x16c: {  	[sflag:s11] =	ssyncset.done $0x0  }
0x16d: {  	s1 =	rddreg [dreg:$0x12];
	[sflag:s11] =	ssyncadd.s32 $0xFFFFC000  }
0x16e: {  	[tilespmem:s12], [sflag:$0x3] =	stream.indirect.gather [hbm4b:s3+s6], $0x80, s1, s6, $0xb8;
	[tilespmem:$0x11000] =	vst v63  }
0x16f: {  	_ =	swait.ge [sflag:s7], $0x4000  }
0x170: {  	[sflag:s7] =	ssyncset.done $0x0  }
0x171: {  	[sflag:s7] =	ssyncadd.s32 $0xFFFFC000  }
0x172: {  	[tilespmem:s8], [sflag:$0x4] =	stream.indirect.gather [hbm4b:s3+s6], $0x80, s15, s6, $0xb8;
	[tilespmem:$0x11000] =	vst v63  }
0x173: {  	_ =	swait.ge [sflag:s9], $0x4000  }
0x174: {  	[sflag:s9] =	ssyncset.done $0x0  }
0x175: {  	[sflag:s9] =	ssyncadd.s32 $0xFFFFC000  }
0x176: {  	[tilespmem:s5], [sflag:$0x1] =	stream.indirect.gather [hbm4b:s3+s6], $0x80, s31, s6, $0xb8;
	[tilespmem:$0x11000] =	vst v63  }
0x177: {  	_ =	swait.ge [sflag:s10], $0x4000  }
0x178: {  	[sflag:s10] =	ssyncset.done $0x0  }
0x179: {  	[sflag:s10] =	ssyncadd.s32 $0xFFFFC000  }
0x17a: {  	[tilespmem:s13], [sflag:$0x2] =	stream.indirect.gather [hbm4b:s3+s6], $0x80, s30, s6, $0xb8;
	[tilespmem:$0x11000] =	vst v63  }
0x17b: {  	_ =	swait.ge [sflag:s11], $0x4000  }
0x17c: {  	[sflag:s11] =	ssyncset.done $0x0  }
0x17d: {  	[sflag:s11] =	ssyncadd.s32 $0xFFFFC000  }
0x17e: {  	[tilespmem:s12], [sflag:$0x3] =	stream.indirect.gather [hbm4b:s3+s6], $0x80, s29, s6, $0xb8;
	[tilespmem:$0x11000] =	vst v63  }
0x17f: {  	_ =	swait.ge [sflag:s7], $0x4000  }
0x180: {  	[sflag:s7] =	ssyncset.done $0x0  }
0x181: {  	[sflag:s7] =	ssyncadd.s32 $0xFFFFC000  }
0x182: {  	[tilespmem:s8], [sflag:$0x4] =	stream.indirect.gather [hbm4b:s3+s6], $0x80, s28, s6, $0xb8;
	[tilespmem:$0x11000] =	vst v63  }
0x183: {  	_ =	swait.ge [sflag:s9], $0x4000  }
0x184: {  	[sflag:s9] =	ssyncset.done $0x0  }
0x185: {  	[sflag:s9] =	ssyncadd.s32 $0xFFFFC000  }
0x186: {  	[tilespmem:s5], [sflag:$0x1] =	stream.indirect.gather [hbm4b:s3+s6], $0x80, s26, s6, $0xb8;
	[tilespmem:$0x11000] =	vst v63  }
0x187: {  	_ =	swait.ge [sflag:s10], $0x4000  }
0x188: {  	[sflag:s10] =	ssyncset.done $0x0  }
0x189: {  	[sflag:s10] =	ssyncadd.s32 $0xFFFFC000  }
0x18a: {  	[tilespmem:s13], [sflag:$0x2] =	stream.indirect.gather [hbm4b:s3+s6], $0x80, s25, s6, $0xb8;
	[tilespmem:$0x11000] =	vst v63  }
0x18b: {  	_ =	swait.ge [sflag:s11], $0x4000  }
0x18c: {  	[sflag:s11] =	ssyncset.done $0x0  }
0x18d: {  	[sflag:s11] =	ssyncadd.s32 $0xFFFFC000  }
0x18e: {  	[tilespmem:s12], [sflag:$0x3] =	stream.indirect.gather [hbm4b:s3+s6], $0x80, s24, s6, $0xb8;
	[tilespmem:$0x11000] =	vst v63  }
0x18f: {  	_ =	swait.ge [sflag:s7], $0x4000  }
0x190: {  	[sflag:s7] =	ssyncset.done $0x0  }
0x191: {  	[sflag:s7] =	ssyncadd.s32 $0xFFFFC000  }
0x192: {  	[tilespmem:s8], [sflag:$0x4] =	stream.indirect.gather [hbm4b:s3+s6], $0x80, s23, s6, $0xb8;
	[tilespmem:$0x11000] =	vst v63  }
0x193: {  	_ =	swait.ge [sflag:s9], $0x4000  }
0x194: {  	[sflag:s9] =	ssyncset.done $0x0  }
0x195: {  	[sflag:s9] =	ssyncadd.s32 $0xFFFFC000  }
0x196: {  	[tilespmem:s5], [sflag:$0x1] =	stream.indirect.gather [hbm4b:s3+s6], $0x80, s22, s6, $0xb8;
	[tilespmem:$0x11000] =	vst v63  }
0x197: {  	_ =	swait.ge [sflag:s10], $0x4000  }
0x198: {  	[sflag:s10] =	ssyncset.done $0x0  }
0x199: {  	[sflag:s10] =	ssyncadd.s32 $0xFFFFC000  }
0x19a: {  	[tilespmem:s13], [sflag:$0x2] =	stream.indirect.gather [hbm4b:s3+s6], $0x80, s20, s6, $0xb8;
	[tilespmem:$0x11000] =	vst v63  }
0x19b: {  	_ =	swait.ge [sflag:s11], $0x4000  }
0x19c: {  	[sflag:s11] =	ssyncset.done $0x0  }
0x19d: {  	[sflag:s11] =	ssyncadd.s32 $0xFFFFC000  }
0x19e: {  	[tilespmem:s12], [sflag:$0x3] =	stream.indirect.gather [hbm4b:s3+s6], $0x80, s21, s6, $0xb8;
	[tilespmem:$0x11000] =	vst v63  }
0x19f: {  	_ =	swait.ge [sflag:s7], $0x4000  }
0x1a0: {  	[sflag:s7] =	ssyncset.done $0x0  }
0x1a1: {  	[sflag:s7] =	ssyncadd.s32 $0xFFFFC000  }
0x1a2: {  	[tilespmem:s8], [sflag:$0x4] =	stream.indirect.gather [hbm4b:s3+s6], $0x80, s19, s6, $0xb8;
	[tilespmem:$0x11000] =	vst v63  }
0x1a3: {  	_ =	swait.ge [sflag:s9], $0x4000  }
0x1a4: {  	[sflag:s9] =	ssyncset.done $0x0  }
0x1a5: {  	[sflag:s9] =	ssyncadd.s32 $0xFFFFC000  }
0x1a6: {  	[tilespmem:s5], [sflag:$0x1] =	stream.indirect.gather [hbm4b:s3+s6], $0x80, s18, s6, $0xb8;
	[tilespmem:$0x11000] =	vst v63  }
0x1a7: {  	_ =	swait.ge [sflag:s10], $0x4000  }
0x1a8: {  	[sflag:s10] =	ssyncset.done $0x0  }
0x1a9: {  	[sflag:s10] =	ssyncadd.s32 $0xFFFFC000  }
0x1aa: {  	[tilespmem:s13], [sflag:$0x2] =	stream.indirect.gather [hbm4b:s3+s6], $0x80, s17, s6, $0xb8;
	[tilespmem:$0x11000] =	vst v63  }
0x1ab: {  	_ =	swait.ge [sflag:s11], $0x4000  }
0x1ac: {  	[sflag:s11] =	ssyncset.done $0x0  }
0x1ad: {  	[sflag:s11] =	ssyncadd.s32 $0xFFFFC000  }
0x1ae: {  	[tilespmem:s12], [sflag:$0x3] =	stream.indirect.gather [hbm4b:s3+s6], $0x80, s16, s6, $0xb8;
	[tilespmem:$0x11000] =	vst v63  }
0x1af: {  	_ =	swait.ge [sflag:s7], $0x4000  }
0x1b0: {  	[sflag:s7] =	ssyncset.done $0x0  }
0x1b1: {  	s30 =	simm.s32 $0xF80;
	[sflag:s7] =	ssyncadd.s32 $0xFFFFC000  }
0x1b2: {  	[tilespmem:s8], [sflag:$0x4] =	stream.indirect.gather [hbm4b:s3+s6], $0x80, s30, s6, $0xb8;
	[tilespmem:$0x11000] =	vst v63  }
0x1b3: {  	_ =	swait.ge [sflag:s9], $0x4000  }
0x1b4: {  	[sflag:s9] =	ssyncset.done $0x0  }
0x1b5: {  	[sflag:s9] =	ssyncadd.s32 $0xFFFFC000  }
0x1b6: {  	_ =	swait.ge [sflag:s10], $0x4000  }
0x1b7: {  	[sflag:s10] =	ssyncset.done $0x0  }
0x1b8: {  	[sflag:s10] =	ssyncadd.s32 $0xFFFFC000  }
0x1b9: {  	_ =	swait.ge [sflag:s11], $0x4000  }
0x1ba: {  	[sflag:s11] =	ssyncset.done $0x0  }
0x1bb: {  	[sflag:s11] =	ssyncadd.s32 $0xFFFFC000  }
0x1bc: {  	_ =	swait.ge [sflag:s7], $0x4000  }
0x1bd: {  	[sflag:s7] =	ssyncset.done $0x0  }
0x1be: {  	s31 =	rddreg [dreg:$0x5];
	[sflag:s7] =	ssyncadd.s32 $0xFFFFC000  }
0x1bf: {  	[hbm4b:s31+s2] =	stream.linear.scatter [tilespmem:s5], [sflag:$0x5], $0x4000, $0x38;
	[tilespmem:$0x11000] =	vst v63  }
0x1c0: {  	_ =	swait.ge [sflag:s4], $0x4000  }
0x1c1: {  	[sflag:s4] =	ssyncset.done $0x0  }
0x1c2: {  	[sflag:s4] =	ssyncadd.s32 $0xFFFFC000  }
0x1c3: {  	_ =	sfence.sel $0x180000  }
0x1c4: {  	[bflag:$0x0] =	sbarrier.arrive $0xFFFF  }
0x1c5: {  	_ =	strace $0x90000047  }
0x1c6: {  	[bflag:$0x2] =	sbarrier.arrive $0xFFFF  }
0x1c7: {  	p0 =	sne.s32 s14, $0x0;
	s0 =	rddreg [dreg:$0x3]  }
0x1c8: {  	s0 =	sadd.s32 @!p0 $0x100000, s0  }
0x1c9: {  	[sflag:s0] =	ssyncadd.tile.s32 @!p0 $0x1;
	_ =	shalt  }
.LBB2_1:
0x1ca: {  	s15 =	simm.s32 $0x780;
	s31 =	simm.s32 $0x800  }
.Ltmp3:
0x1cb: {  	s30 =	simm.s32 $0x880;
	s29 =	simm.s32 $0x900;
	(pc) =	sbr.rel .LBB2_6-.Ltmp3, $4  }
0x1cc: {  	s28 =	simm.s32 $0x980;
	s26 =	simm.s32 $0xA00;
	s25 =	simm.s32 $0xA80  }
0x1cd: {  	s24 =	simm.s32 $0xB00;
	s23 =	simm.s32 $0xB80;
	s22 =	simm.s32 $0xC00  }
0x1ce: {  	s21 =	simm.s32 $0xD00;
	s20 =	simm.s32 $0xC80;
	s19 =	simm.s32 $0xD80  }
0x1cf: {  	s18 =	simm.s32 $0xE00;
	s17 =	simm.s32 $0xE80;
	s16 =	simm.s32 $0xF00  }
.LBB2_3:
0x1d0: {  	s15 =	simm.s32 $0x780;
	s31 =	simm.s32 $0x800;
	s30 =	simm.s32 $0x880  }
.Ltmp4:
0x1d1: {  	s29 =	simm.s32 $0x900;
	s28 =	simm.s32 $0x980;
	(pc) =	sbr.rel .LBB2_6-.Ltmp4, $4  }
0x1d2: {  	s26 =	simm.s32 $0xA00;
	s25 =	simm.s32 $0xA80;
	s24 =	simm.s32 $0xB00  }
0x1d3: {  	s23 =	simm.s32 $0xB80;
	s22 =	simm.s32 $0xC00;
	s21 =	simm.s32 $0xD00  }
0x1d4: {  	s20 =	simm.s32 $0xC80;
	s19 =	simm.s32 $0xD80;
	s18 =	simm.s32 $0xE00  }
0x1d5: {  	s17 =	simm.s32 $0xE80;
	s16 =	simm.s32 $0xF00;
	s14 =	stileid.u32  }
.Lfunc_end2:
_tile_overlayer_lowered:
.L_overlay_start_2:
0x1d6: {  	(tag) =	ssettag $0x2  }
0x1d7: {  	s0 =	rddreg [dreg:$0x0];
	s2 =	stileid.u32  }
0x1d8: {  	s1 =	rddreg [dreg:$0x1];
	p0 =	sne.s32 s2, $0x0  }
0x1d9: {  	s3 =	rddreg [dreg:$0x2];
	[bflag:$0x3] =	sbarrier.arrive $0xFFFF;
	s2 =	simm.s32 @!p0 $0x1C05  }
0x1da: {  	[timem:s3], [sflag:s2] =	dma.local @!p0 [hbm:s0], s1  }
0x1db: {  	s0 =	simm.s32 @!p0 $0x5  }
0x1dc: {  	_ =	swait.ge @!p0 [sflag:s0], s1  }
0x1dd: {  	s1 =	ssub.s32 @!p0 $0x0, s1;
	[sflag:s0] =	ssyncset.done @!p0 $0x0  }
0x1de: {  	[sflag:s0] =	ssyncadd.s32 @!p0 s1  }
0x1df: {  	[bflag:$0x3] =	sbarrier.arrive $0xFFFF  }
0x1e0: {  	_ =	shalt  }

</sc_bundles>
